<compile_context>
chip_gen: v7x
topology: tpu7x:2x2x1
jax: 0.10.2.dev20260603
libtpu: 0.0.44.dev20260713+nightly
codegen_flags: <defaults>
</compile_context>

<pallas_src>
import functools

import numpy as np
import jax
import jax.numpy as jnp
from jax import lax
from jax.experimental import pallas as pl
from jax.experimental.pallas import tpu as pltpu
from jax.experimental.pallas import tpu_sc as plsc

A_PLUS = np.float32(0.01)
A_MINUS = np.float32(0.012)
LEARNING_RATE = np.float32(0.01)
ACH_MOD = np.float32(0.5)
C = np.float32(LEARNING_RATE * ACH_MOD * (A_PLUS - A_MINUS))

N = 4096
L = 16
NC = 2
NS = 16
NW = NC * NS
ROWS_PER_W = N // NW
CHUNK = 8
NBUF = 2
NCHUNK = ROWS_PER_W // CHUNK

_mesh = plsc.VectorSubcoreMesh(
    core_axis_name="c", subcore_axis_name="s", num_cores=NC, num_subcores=NS)


@functools.partial(
    pl.kernel,
    out_type=jax.ShapeDtypeStruct((N, N), jnp.float32),
    mesh=_mesh,
    scratch_types=[
        pltpu.VMEM((N,), jnp.float32),
        pltpu.VMEM((ROWS_PER_W + L,), jnp.float32),
        pltpu.VMEM((NBUF * CHUNK, N), jnp.float32),
        [pltpu.SemaphoreType.DMA] * NBUF,
        [pltpu.SemaphoreType.DMA] * NBUF,
    ],
)
def _sc_update(w_hbm, pre_hbm, post_hbm, out_hbm, cpre, postv, buf,
               insems, outsems):
    cid = lax.axis_index("c")
    sid = lax.axis_index("s")
    wid = sid * NC + cid
    base = wid * ROWS_PER_W

    pltpu.sync_copy(pre_hbm, cpre)

    @pl.loop(0, N // L, unroll=8)
    def _scale(j):
        sl = pl.ds(j * L, L)
        cpre[sl] = cpre[sl] * C

    pltpu.sync_copy(post_hbm.at[pl.ds(base, ROWS_PER_W)], postv.at[pl.ds(0, ROWS_PER_W)])

    def in_copy(k, b):
        return pltpu.make_async_copy(
            w_hbm.at[pl.ds(base + k * CHUNK, CHUNK)],
            buf.at[pl.ds(b * CHUNK, CHUNK)],
            insems[b],
        )

    def out_copy(k, b):
        return pltpu.make_async_copy(
            buf.at[pl.ds(b * CHUNK, CHUNK)],
            out_hbm.at[pl.ds(base + k * CHUNK, CHUNK)],
            outsems[b],
        )

    in_copy(0, 0).start()

    @pl.loop(0, NCHUNK, step=NBUF)
    def _chunks(k0):
        for b in range(NBUF):
            k = k0 + b

            @pl.when(k >= 1)
            def _():
                out_copy(k - 1, (b - 1) % NBUF).wait()

            @pl.when(k + 1 < NCHUNK)
            def _():
                in_copy(k + 1, (b + 1) % NBUF).start()

            in_copy(k, b).wait()

            pvv = postv[pl.ds(k * CHUNK, L)]

            @plsc.parallel_loop(0, N // L, unroll=2)
            def _upd(j):
                sl = pl.ds(j * L, L)
                c = cpre[sl]
                for r in range(CHUNK):
                    row = b * CHUNK + r
                    buf[row, sl] = jnp.maximum(buf[row, sl] + pvv[r] * c, 0.0)

            out_copy(k, b).start()

    out_copy(NCHUNK - 1, (NCHUNK - 1) % NBUF).wait()


def kernel(weights, pre, post):
    return _sc_update(weights, pre, post)

# --- scband reference (transcript-rebuilt; emitter-appended) ---
"""Pipeline reference for scband-stdpstrategy-18760417149253 (READ-ONLY COPY).

The authoritative reference and input builder live on the scoring server;
editing this copy changes nothing except your own understanding.
"""

import jax, jax.numpy as jnp
import numpy as np

# STDPStrategy.compute_update translated to JAX.
# Config defaults from STDPConfig / LearningConfig:
A_PLUS = 0.01
A_MINUS = 0.012
TAU_PLUS = 20.0
TAU_MINUS = 20.0
DT_MS = 1.0
LEARNING_RATE = 0.01  # LearningComponentConfig default
W_MIN = 0.0
W_MAX = 1.0
ACETYLCHOLINE = 0.0  # kwargs defaults: dopamine=0, ach=0, ne=0, bcm=1.0
BCM_MOD = 1.0

N_PRE = 4096
N_POST = 4096


def setup_inputs(seed: int = 0) -> dict:
    key = jax.random.key(seed)
    k1, k2, k3 = jax.random.split(key, 3)
    weights = jax.random.uniform(k1, (N_POST, N_PRE), dtype=jnp.float32)
    pre = jax.random.randint(k2, (N_PRE,), 0, 2).astype(jnp.float32)
    post = jax.random.randint(k3, (N_POST,), 0, 2).astype(jnp.float32)
    return {"weights": weights, "pre": pre, "post": post}


def reference(weights, pre, post):
    # EligibilityTraceManager: fresh traces (zeros), one update step:
    #   trace = trace * exp(-dt/tau) + spikes  (zero init -> trace == spikes)
    decay_pre = jnp.exp(-DT_MS / TAU_PLUS)
    decay_post = jnp.exp(-DT_MS / TAU_MINUS)
    pre_trace = jnp.zeros_like(pre) * decay_pre + pre
    post_trace = jnp.zeros_like(post) * decay_post + post

    # compute_ltp_ltd_separate:
    #   LTP: a_plus  * pre_trace x post_spike  -> [n_post, n_pre]
    #   LTD: a_minus * post_trace x pre_spike  -> [n_post, n_pre]
    ltp = A_PLUS * jnp.outer(post, pre_trace)
    ltd = A_MINUS * jnp.outer(post_trace, pre)

    # Neuromodulation with default kwargs (dopamine=0, ach=0, bcm=1):
    ach_modulation = 0.5 + 0.5 * ACETYLCHOLINE
    ltp = ltp * ach_modulation
    ltd = ltd * ach_modulation

    dw = LEARNING_RATE * BCM_MOD * (ltp - ltd)

    # _apply_bounds: hard clamp
    new_weights = jnp.clip(weights + dw, W_MIN, W_MAX)
    return new_weights

if __name__ == "__main__":
    import jax
    _d = setup_inputs()
    print(jax.jit(kernel)(*tuple(_d.values())))

</pallas_src>

<mosaic_0001>
#map = affine_map<(d0, d1) -> (0, 0)>
#map1 = affine_map<(d0, d1) -> (0)>
module attributes {stable_mosaic.version = 14 : i64} {
  func.func @_sc_update(%arg0: i32, %arg1: i32, %arg2: memref<4096x4096xf32, #tpu.memory_space<hbm>>, %arg3: memref<4096xf32, #tpu.memory_space<hbm>>, %arg4: memref<4096xf32, #tpu.memory_space<hbm>>, %arg5: memref<4096x4096xf32, #tpu.memory_space<hbm>>, %arg6: memref<4096xf32, #tpu.memory_space<vmem>>, %arg7: memref<144xf32, #tpu.memory_space<vmem>>, %arg8: memref<16x4096xf32, #tpu.memory_space<vmem>>, %arg9: memref<!tpu.dma_semaphore, #tpu.memory_space<semaphore_mem>>, %arg10: memref<!tpu.dma_semaphore, #tpu.memory_space<semaphore_mem>>, %arg11: memref<!tpu.dma_semaphore, #tpu.memory_space<semaphore_mem>>, %arg12: memref<!tpu.dma_semaphore, #tpu.memory_space<semaphore_mem>>) attributes {dimension_semantics = [#tpu.dimension_semantics<core_parallel>, #tpu.dimension_semantics<subcore_parallel>], iteration_bounds = array<i64: 2, 16>, scalar_prefetch = 0 : i64, scratch_operands = 7 : i64, tpu.core_type = #tpu.core_type<sc_vector_subcore>, window_params = [{transform_indices = #map}, {transform_indices = #map1}, {transform_indices = #map1}, {transform_indices = #map}]} {
    %mul3A = arith.constant 2 : i32
    %mul3A_0 = arith.muli %arg1, %mul3A : i32
    %add3A = arith.addi %mul3A_0, %arg0 : i32
    %mul3A_1 = arith.constant 128 : i32
    %mul3A_2 = arith.muli %add3A, %mul3A_1 : i32
    "tpu.region"() ({
      %run_scoped3A = tpu.sem_alloc : memref<!tpu.dma_semaphore, #tpu.memory_space<semaphore_mem>>
      tpu.enqueue_dma source(%arg3 : memref<4096xf32, #tpu.memory_space<hbm>>) target(%arg6 : memref<4096xf32, #tpu.memory_space<vmem>>) target_semaphore(%run_scoped3A : memref<!tpu.dma_semaphore, #tpu.memory_space<semaphore_mem>>)
      tpu.wait_dma2 semaphore(%run_scoped3A : memref<!tpu.dma_semaphore, #tpu.memory_space<semaphore_mem>>) src(%arg3 : memref<4096xf32, #tpu.memory_space<hbm>>) dst(%arg6 : memref<4096xf32, #tpu.memory_space<vmem>>)
      tpu.yield
    }) : () -> ()
    %scan3A = arith.constant 0 : i32
    %scan3A_3 = arith.constant 256 : i32
    %scan3A_4 = arith.addi %scan3A, %scan3A_3 : i32
    %scan3A_5 = arith.constant 8 : i32
    scf.for %scan3A_34 = %scan3A to %scan3A_4 step %scan3A_5  : i32 {
      %mul3A_35 = arith.constant 1 : i32
      %mul3A_36 = arith.muli %scan3A_34, %mul3A_35 : i32
      %add3A_37 = arith.constant 0 : i32
      %add3A_38 = arith.addi %add3A_37, %mul3A_36 : i32
      %mul3A_39 = arith.constant 16 : i32
      %mul3A_40 = arith.muli %add3A_38, %mul3A_39 : i32
      %get3A = arith.index_cast %mul3A_40 : i32 to index
      %get3A_41 = tpu.vector_load %arg6[%get3A] {strides = array<i32>} : memref<4096xf32, #tpu.memory_space<vmem>>, vector<16xf32>,
      %get3A_42 = vector.shape_cast %get3A_41 : vector<16xf32> to vector<16xf32>
      %mul3A_43 = arith.constant -1.00000016E-5 : f32
      %mul3A_44 = vector.broadcast %mul3A_43 : f32 to vector<16xf32>
      %mul3A_45 = arith.mulf %get3A_42, %mul3A_44 : vector<16xf32>
      %swap3A = arith.index_cast %mul3A_40 : i32 to index
      %swap3A_46 = tpu.vector_load %arg6[%swap3A] {strides = array<i32>} : memref<4096xf32, #tpu.memory_space<vmem>>, vector<16xf32>,
      %swap3A_47 = vector.shape_cast %swap3A_46 : vector<16xf32> to vector<16xf32>
      %swap3A_48 = vector.shape_cast %mul3A_45 : vector<16xf32> to vector<16xf32>
      tpu.vector_store %arg6[%swap3A], %swap3A_48 {strides = array<i32>} : memref<4096xf32, #tpu.memory_space<vmem>>, vector<16xf32>,
      %scan3A_49 = arith.constant 1 : i32
      %scan3A_50 = arith.addi %scan3A_34, %scan3A_49 : i32
      %mul3A_51 = arith.constant 1 : i32
      %mul3A_52 = arith.muli %scan3A_50, %mul3A_51 : i32
      %add3A_53 = arith.constant 0 : i32
      %add3A_54 = arith.addi %add3A_53, %mul3A_52 : i32
      %mul3A_55 = arith.constant 16 : i32
      %mul3A_56 = arith.muli %add3A_54, %mul3A_55 : i32
      %get3A_57 = arith.index_cast %mul3A_56 : i32 to index
      %get3A_58 = tpu.vector_load %arg6[%get3A_57] {strides = array<i32>} : memref<4096xf32, #tpu.memory_space<vmem>>, vector<16xf32>,
      %get3A_59 = vector.shape_cast %get3A_58 : vector<16xf32> to vector<16xf32>
      %mul3A_60 = arith.constant -1.00000016E-5 : f32
      %mul3A_61 = vector.broadcast %mul3A_60 : f32 to vector<16xf32>
      %mul3A_62 = arith.mulf %get3A_59, %mul3A_61 : vector<16xf32>
      %swap3A_63 = arith.index_cast %mul3A_56 : i32 to index
      %swap3A_64 = tpu.vector_load %arg6[%swap3A_63] {strides = array<i32>} : memref<4096xf32, #tpu.memory_space<vmem>>, vector<16xf32>,
      %swap3A_65 = vector.shape_cast %swap3A_64 : vector<16xf32> to vector<16xf32>
      %swap3A_66 = vector.shape_cast %mul3A_62 : vector<16xf32> to vector<16xf32>
      tpu.vector_store %arg6[%swap3A_63], %swap3A_66 {strides = array<i32>} : memref<4096xf32, #tpu.memory_space<vmem>>, vector<16xf32>,
      %scan3A_67 = arith.constant 2 : i32
      %scan3A_68 = arith.addi %scan3A_34, %scan3A_67 : i32
      %mul3A_69 = arith.constant 1 : i32
      %mul3A_70 = arith.muli %scan3A_68, %mul3A_69 : i32
      %add3A_71 = arith.constant 0 : i32
      %add3A_72 = arith.addi %add3A_71, %mul3A_70 : i32
      %mul3A_73 = arith.constant 16 : i32
      %mul3A_74 = arith.muli %add3A_72, %mul3A_73 : i32
      %get3A_75 = arith.index_cast %mul3A_74 : i32 to index
      %get3A_76 = tpu.vector_load %arg6[%get3A_75] {strides = array<i32>} : memref<4096xf32, #tpu.memory_space<vmem>>, vector<16xf32>,
      %get3A_77 = vector.shape_cast %get3A_76 : vector<16xf32> to vector<16xf32>
      %mul3A_78 = arith.constant -1.00000016E-5 : f32
      %mul3A_79 = vector.broadcast %mul3A_78 : f32 to vector<16xf32>
      %mul3A_80 = arith.mulf %get3A_77, %mul3A_79 : vector<16xf32>
      %swap3A_81 = arith.index_cast %mul3A_74 : i32 to index
      %swap3A_82 = tpu.vector_load %arg6[%swap3A_81] {strides = array<i32>} : memref<4096xf32, #tpu.memory_space<vmem>>, vector<16xf32>,
      %swap3A_83 = vector.shape_cast %swap3A_82 : vector<16xf32> to vector<16xf32>
      %swap3A_84 = vector.shape_cast %mul3A_80 : vector<16xf32> to vector<16xf32>
      tpu.vector_store %arg6[%swap3A_81], %swap3A_84 {strides = array<i32>} : memref<4096xf32, #tpu.memory_space<vmem>>, vector<16xf32>,
      %scan3A_85 = arith.constant 3 : i32
      %scan3A_86 = arith.addi %scan3A_34, %scan3A_85 : i32
      %mul3A_87 = arith.constant 1 : i32
      %mul3A_88 = arith.muli %scan3A_86, %mul3A_87 : i32
      %add3A_89 = arith.constant 0 : i32
      %add3A_90 = arith.addi %add3A_89, %mul3A_88 : i32
      %mul3A_91 = arith.constant 16 : i32
      %mul3A_92 = arith.muli %add3A_90, %mul3A_91 : i32
      %get3A_93 = arith.index_cast %mul3A_92 : i32 to index
      %get3A_94 = tpu.vector_load %arg6[%get3A_93] {strides = array<i32>} : memref<4096xf32, #tpu.memory_space<vmem>>, vector<16xf32>,
      %get3A_95 = vector.shape_cast %get3A_94 : vector<16xf32> to vector<16xf32>
      %mul3A_96 = arith.constant -1.00000016E-5 : f32
      %mul3A_97 = vector.broadcast %mul3A_96 : f32 to vector<16xf32>
      %mul3A_98 = arith.mulf %get3A_95, %mul3A_97 : vector<16xf32>
      %swap3A_99 = arith.index_cast %mul3A_92 : i32 to index
      %swap3A_100 = tpu.vector_load %arg6[%swap3A_99] {strides = array<i32>} : memref<4096xf32, #tpu.memory_space<vmem>>, vector<16xf32>,
      %swap3A_101 = vector.shape_cast %swap3A_100 : vector<16xf32> to vector<16xf32>
      %swap3A_102 = vector.shape_cast %mul3A_98 : vector<16xf32> to vector<16xf32>
      tpu.vector_store %arg6[%swap3A_99], %swap3A_102 {strides = array<i32>} : memref<4096xf32, #tpu.memory_space<vmem>>, vector<16xf32>,
      %scan3A_103 = arith.constant 4 : i32
      %scan3A_104 = arith.addi %scan3A_34, %scan3A_103 : i32
      %mul3A_105 = arith.constant 1 : i32
      %mul3A_106 = arith.muli %scan3A_104, %mul3A_105 : i32
      %add3A_107 = arith.constant 0 : i32
      %add3A_108 = arith.addi %add3A_107, %mul3A_106 : i32
      %mul3A_109 = arith.constant 16 : i32
      %mul3A_110 = arith.muli %add3A_108, %mul3A_109 : i32
      %get3A_111 = arith.index_cast %mul3A_110 : i32 to index
      %get3A_112 = tpu.vector_load %arg6[%get3A_111] {strides = array<i32>} : memref<4096xf32, #tpu.memory_space<vmem>>, vector<16xf32>,
      %get3A_113 = vector.shape_cast %get3A_112 : vector<16xf32> to vector<16xf32>
      %mul3A_114 = arith.constant -1.00000016E-5 : f32
      %mul3A_115 = vector.broadcast %mul3A_114 : f32 to vector<16xf32>
      %mul3A_116 = arith.mulf %get3A_113, %mul3A_115 : vector<16xf32>
      %swap3A_117 = arith.index_cast %mul3A_110 : i32 to index
      %swap3A_118 = tpu.vector_load %arg6[%swap3A_117] {strides = array<i32>} : memref<4096xf32, #tpu.memory_space<vmem>>, vector<16xf32>,
      %swap3A_119 = vector.shape_cast %swap3A_118 : vector<16xf32> to vector<16xf32>
      %swap3A_120 = vector.shape_cast %mul3A_116 : vector<16xf32> to vector<16xf32>
      tpu.vector_store %arg6[%swap3A_117], %swap3A_120 {strides = array<i32>} : memref<4096xf32, #tpu.memory_space<vmem>>, vector<16xf32>,
      %scan3A_121 = arith.constant 5 : i32
      %scan3A_122 = arith.addi %scan3A_34, %scan3A_121 : i32
      %mul3A_123 = arith.constant 1 : i32
      %mul3A_124 = arith.muli %scan3A_122, %mul3A_123 : i32
      %add3A_125 = arith.constant 0 : i32
      %add3A_126 = arith.addi %add3A_125, %mul3A_124 : i32
      %mul3A_127 = arith.constant 16 : i32
      %mul3A_128 = arith.muli %add3A_126, %mul3A_127 : i32
      %get3A_129 = arith.index_cast %mul3A_128 : i32 to index
      %get3A_130 = tpu.vector_load %arg6[%get3A_129] {strides = array<i32>} : memref<4096xf32, #tpu.memory_space<vmem>>, vector<16xf32>,
      %get3A_131 = vector.shape_cast %get3A_130 : vector<16xf32> to vector<16xf32>
      %mul3A_132 = arith.constant -1.00000016E-5 : f32
      %mul3A_133 = vector.broadcast %mul3A_132 : f32 to vector<16xf32>
      %mul3A_134 = arith.mulf %get3A_131, %mul3A_133 : vector<16xf32>
      %swap3A_135 = arith.index_cast %mul3A_128 : i32 to index
      %swap3A_136 = tpu.vector_load %arg6[%swap3A_135] {strides = array<i32>} : memref<4096xf32, #tpu.memory_space<vmem>>, vector<16xf32>,
      %swap3A_137 = vector.shape_cast %swap3A_136 : vector<16xf32> to vector<16xf32>
      %swap3A_138 = vector.shape_cast %mul3A_134 : vector<16xf32> to vector<16xf32>
      tpu.vector_store %arg6[%swap3A_135], %swap3A_138 {strides = array<i32>} : memref<4096xf32, #tpu.memory_space<vmem>>, vector<16xf32>,
      %scan3A_139 = arith.constant 6 : i32
      %scan3A_140 = arith.addi %scan3A_34, %scan3A_139 : i32
      %mul3A_141 = arith.constant 1 : i32
      %mul3A_142 = arith.muli %scan3A_140, %mul3A_141 : i32
      %add3A_143 = arith.constant 0 : i32
      %add3A_144 = arith.addi %add3A_143, %mul3A_142 : i32
      %mul3A_145 = arith.constant 16 : i32
      %mul3A_146 = arith.muli %add3A_144, %mul3A_145 : i32
      %get3A_147 = arith.index_cast %mul3A_146 : i32 to index
      %get3A_148 = tpu.vector_load %arg6[%get3A_147] {strides = array<i32>} : memref<4096xf32, #tpu.memory_space<vmem>>, vector<16xf32>,
      %get3A_149 = vector.shape_cast %get3A_148 : vector<16xf32> to vector<16xf32>
      %mul3A_150 = arith.constant -1.00000016E-5 : f32
      %mul3A_151 = vector.broadcast %mul3A_150 : f32 to vector<16xf32>
      %mul3A_152 = arith.mulf %get3A_149, %mul3A_151 : vector<16xf32>
      %swap3A_153 = arith.index_cast %mul3A_146 : i32 to index
      %swap3A_154 = tpu.vector_load %arg6[%swap3A_153] {strides = array<i32>} : memref<4096xf32, #tpu.memory_space<vmem>>, vector<16xf32>,
      %swap3A_155 = vector.shape_cast %swap3A_154 : vector<16xf32> to vector<16xf32>
      %swap3A_156 = vector.shape_cast %mul3A_152 : vector<16xf32> to vector<16xf32>
      tpu.vector_store %arg6[%swap3A_153], %swap3A_156 {strides = array<i32>} : memref<4096xf32, #tpu.memory_space<vmem>>, vector<16xf32>,
      %scan3A_157 = arith.constant 7 : i32
      %scan3A_158 = arith.addi %scan3A_34, %scan3A_157 : i32
      %mul3A_159 = arith.constant 1 : i32
      %mul3A_160 = arith.muli %scan3A_158, %mul3A_159 : i32
      %add3A_161 = arith.constant 0 : i32
      %add3A_162 = arith.addi %add3A_161, %mul3A_160 : i32
      %mul3A_163 = arith.constant 16 : i32
      %mul3A_164 = arith.muli %add3A_162, %mul3A_163 : i32
      %get3A_165 = arith.index_cast %mul3A_164 : i32 to index
      %get3A_166 = tpu.vector_load %arg6[%get3A_165] {strides = array<i32>} : memref<4096xf32, #tpu.memory_space<vmem>>, vector<16xf32>,
      %get3A_167 = vector.shape_cast %get3A_166 : vector<16xf32> to vector<16xf32>
      %mul3A_168 = arith.constant -1.00000016E-5 : f32
      %mul3A_169 = vector.broadcast %mul3A_168 : f32 to vector<16xf32>
      %mul3A_170 = arith.mulf %get3A_167, %mul3A_169 : vector<16xf32>
      %swap3A_171 = arith.index_cast %mul3A_164 : i32 to index
      %swap3A_172 = tpu.vector_load %arg6[%swap3A_171] {strides = array<i32>} : memref<4096xf32, #tpu.memory_space<vmem>>, vector<16xf32>,
      %swap3A_173 = vector.shape_cast %swap3A_172 : vector<16xf32> to vector<16xf32>
      %swap3A_174 = vector.shape_cast %mul3A_170 : vector<16xf32> to vector<16xf32>
      tpu.vector_store %arg6[%swap3A_171], %swap3A_174 {strides = array<i32>} : memref<4096xf32, #tpu.memory_space<vmem>>, vector<16xf32>,
    }
    %scan3A_6 = arith.constant 256 : i32
    "tpu.region"() ({
      %run_scoped3A = tpu.sem_alloc : memref<!tpu.dma_semaphore, #tpu.memory_space<semaphore_mem>>
      %dma_start3A_34 = arith.constant 0 : i32
      %dma_start3A_35 = tpu.memref_slice %arg7[%dma_start3A_34] : memref<144xf32, #tpu.memory_space<vmem>> -> memref<128xf32, #tpu.memory_space<vmem>>
      %dma_start3A_36 = tpu.memref_slice %arg4[%mul3A_2] : memref<4096xf32, #tpu.memory_space<hbm>> -> memref<128xf32, #tpu.memory_space<hbm>>
      %dma_start3A_37 = arith.constant 0 : i32
      %dma_start3A_38 = tpu.memref_slice %arg7[%dma_start3A_37] : memref<144xf32, #tpu.memory_space<vmem>> -> memref<128xf32, #tpu.memory_space<vmem>>
      %dma_start3A_39 = tpu.memref_slice %arg4[%mul3A_2] : memref<4096xf32, #tpu.memory_space<hbm>> -> memref<128xf32, #tpu.memory_space<hbm>>
      tpu.enqueue_dma source(%dma_start3A_39 : memref<128xf32, #tpu.memory_space<hbm>>) target(%dma_start3A_38 : memref<128xf32, #tpu.memory_space<vmem>>) target_semaphore(%run_scoped3A : memref<!tpu.dma_semaphore, #tpu.memory_space<semaphore_mem>>)
      %dma_wait3A_40 = arith.constant 0 : i32
      %dma_wait3A_41 = tpu.memref_slice %arg7[%dma_wait3A_40] : memref<144xf32, #tpu.memory_space<vmem>> -> memref<128xf32, #tpu.memory_space<vmem>>
      %dma_wait3A_42 = tpu.memref_slice %arg4[%mul3A_2] : memref<4096xf32, #tpu.memory_space<hbm>> -> memref<128xf32, #tpu.memory_space<hbm>>
      %dma_wait3A_43 = arith.constant 0 : i32
      %dma_wait3A_44 = tpu.memref_slice %arg7[%dma_wait3A_43] : memref<144xf32, #tpu.memory_space<vmem>> -> memref<128xf32, #tpu.memory_space<vmem>>
      %dma_wait3A_45 = tpu.memref_slice %arg4[%mul3A_2] : memref<4096xf32, #tpu.memory_space<hbm>> -> memref<128xf32, #tpu.memory_space<hbm>>
      tpu.wait_dma2 semaphore(%run_scoped3A : memref<!tpu.dma_semaphore, #tpu.memory_space<semaphore_mem>>) src(%dma_wait3A_45 : memref<128xf32, #tpu.memory_space<hbm>>) dst(%dma_wait3A_44 : memref<128xf32, #tpu.memory_space<vmem>>)
      tpu.yield
    }) : () -> ()
    %add3A_7 = arith.constant 0 : i32
    %add3A_8 = arith.addi %mul3A_2, %add3A_7 : i32
    %dma_start3A = arith.constant 0 : i32
    %dma_start3A_9 = arith.constant 0 : i32
    %dma_start3A_10 = tpu.memref_slice %arg8[%dma_start3A, %dma_start3A_9] : memref<16x4096xf32, #tpu.memory_space<vmem>> -> memref<8x4096xf32, #tpu.memory_space<vmem>>
    %dma_start3A_11 = arith.constant 0 : i32
    %dma_start3A_12 = tpu.memref_slice %arg2[%add3A_8, %dma_start3A_11] : memref<4096x4096xf32, #tpu.memory_space<hbm>> -> memref<8x4096xf32, #tpu.memory_space<hbm>>
    %dma_start3A_13 = arith.constant 0 : i32
    %dma_start3A_14 = arith.constant 0 : i32
    %dma_start3A_15 = tpu.memref_slice %arg8[%dma_start3A_13, %dma_start3A_14] : memref<16x4096xf32, #tpu.memory_space<vmem>> -> memref<8x4096xf32, #tpu.memory_space<vmem>>
    %dma_start3A_16 = arith.constant 0 : i32
    %dma_start3A_17 = tpu.memref_slice %arg2[%add3A_8, %dma_start3A_16] : memref<4096x4096xf32, #tpu.memory_space<hbm>> -> memref<8x4096xf32, #tpu.memory_space<hbm>>
    tpu.enqueue_dma source(%dma_start3A_17 : memref<8x4096xf32, #tpu.memory_space<hbm>>) target(%dma_start3A_15 : memref<8x4096xf32, #tpu.memory_space<vmem>>) target_semaphore(%arg9 : memref<!tpu.dma_semaphore, #tpu.memory_space<semaphore_mem>>)
    %scan3A_18 = arith.constant 0 : i32
    %scan3A_19 = arith.constant 8 : i32
    %scan3A_20 = arith.addi %scan3A_18, %scan3A_19 : i32
    %scan3A_21 = arith.constant 1 : i32
    scf.for %scan3A_34 = %scan3A_18 to %scan3A_20 step %scan3A_21  : i32 {
      %mul3A_35 = arith.constant 2 : i32
      %mul3A_36 = arith.muli %scan3A_34, %mul3A_35 : i32
      %add3A_37 = arith.constant 0 : i32
      %add3A_38 = arith.addi %add3A_37, %mul3A_36 : i32
      %add3A_39 = arith.constant 0 : i32
      %add3A_40 = arith.addi %add3A_38, %add3A_39 : i32
      %ge3A = arith.constant 1 : i32
      %ge3A_41 = arith.cmpi sge, %add3A_40, %ge3A : i32
      %convert_element_type3A = arith.extui %ge3A_41 : i1 to i32
      %cond3A = arith.constant 0 : i32
      %cond3A_42 = arith.cmpi ne, %convert_element_type3A, %cond3A : i32
      scf.if %cond3A_42 {
        %sub3A = arith.constant 1 : i32
        %sub3A_129 = arith.subi %add3A_40, %sub3A : i32
        %mul3A_130 = arith.constant 8 : i32
        %mul3A_131 = arith.muli %sub3A_129, %mul3A_130 : i32
        %add3A_132 = arith.addi %mul3A_2, %mul3A_131 : i32
        %dma_wait3A_133 = arith.constant 8 : i32
        %dma_wait3A_134 = arith.constant 0 : i32
        %dma_wait3A_135 = tpu.memref_slice %arg8[%dma_wait3A_133, %dma_wait3A_134] : memref<16x4096xf32, #tpu.memory_space<vmem>> -> memref<8x4096xf32, #tpu.memory_space<vmem>>
        %dma_wait3A_136 = arith.constant 0 : i32
        %dma_wait3A_137 = tpu.memref_slice %arg5[%add3A_132, %dma_wait3A_136] : memref<4096x4096xf32, #tpu.memory_space<hbm>> -> memref<8x4096xf32, #tpu.memory_space<hbm>>
        %dma_wait3A_138 = arith.constant 0 : i32
        %dma_wait3A_139 = tpu.memref_slice %arg5[%add3A_132, %dma_wait3A_138] : memref<4096x4096xf32, #tpu.memory_space<hbm>> -> memref<8x4096xf32, #tpu.memory_space<hbm>>
        %dma_wait3A_140 = arith.constant 8 : i32
        %dma_wait3A_141 = arith.constant 0 : i32
        %dma_wait3A_142 = tpu.memref_slice %arg8[%dma_wait3A_140, %dma_wait3A_141] : memref<16x4096xf32, #tpu.memory_space<vmem>> -> memref<8x4096xf32, #tpu.memory_space<vmem>>
        tpu.wait_dma2 semaphore(%arg12 : memref<!tpu.dma_semaphore, #tpu.memory_space<semaphore_mem>>) src(%dma_wait3A_142 : memref<8x4096xf32, #tpu.memory_space<vmem>>) dst(%dma_wait3A_139 : memref<8x4096xf32, #tpu.memory_space<hbm>>)
      } else {
      }
      %add3A_43 = arith.constant 1 : i32
      %add3A_44 = arith.addi %add3A_40, %add3A_43 : i32
      %lt3A = arith.constant 16 : i32
      %lt3A_45 = arith.cmpi slt, %add3A_44, %lt3A : i32
      %convert_element_type3A_46 = arith.extui %lt3A_45 : i1 to i32
      %cond3A_47 = arith.constant 0 : i32
      %cond3A_48 = arith.cmpi ne, %convert_element_type3A_46, %cond3A_47 : i32
      scf.if %cond3A_48 {
        %add3A_129 = arith.constant 1 : i32
        %add3A_130 = arith.addi %add3A_40, %add3A_129 : i32
        %mul3A_131 = arith.constant 8 : i32
        %mul3A_132 = arith.muli %add3A_130, %mul3A_131 : i32
        %add3A_133 = arith.addi %mul3A_2, %mul3A_132 : i32
        %dma_start3A_134 = arith.constant 8 : i32
        %dma_start3A_135 = arith.constant 0 : i32
        %dma_start3A_136 = tpu.memref_slice %arg8[%dma_start3A_134, %dma_start3A_135] : memref<16x4096xf32, #tpu.memory_space<vmem>> -> memref<8x4096xf32, #tpu.memory_space<vmem>>
        %dma_start3A_137 = arith.constant 0 : i32
        %dma_start3A_138 = tpu.memref_slice %arg2[%add3A_133, %dma_start3A_137] : memref<4096x4096xf32, #tpu.memory_space<hbm>> -> memref<8x4096xf32, #tpu.memory_space<hbm>>
        %dma_start3A_139 = arith.constant 8 : i32
        %dma_start3A_140 = arith.constant 0 : i32
        %dma_start3A_141 = tpu.memref_slice %arg8[%dma_start3A_139, %dma_start3A_140] : memref<16x4096xf32, #tpu.memory_space<vmem>> -> memref<8x4096xf32, #tpu.memory_space<vmem>>
        %dma_start3A_142 = arith.constant 0 : i32
        %dma_start3A_143 = tpu.memref_slice %arg2[%add3A_133, %dma_start3A_142] : memref<4096x4096xf32, #tpu.memory_space<hbm>> -> memref<8x4096xf32, #tpu.memory_space<hbm>>
        tpu.enqueue_dma source(%dma_start3A_143 : memref<8x4096xf32, #tpu.memory_space<hbm>>) target(%dma_start3A_141 : memref<8x4096xf32, #tpu.memory_space<vmem>>) target_semaphore(%arg10 : memref<!tpu.dma_semaphore, #tpu.memory_space<semaphore_mem>>)
      } else {
      }
      %mul3A_49 = arith.constant 8 : i32
      %mul3A_50 = arith.muli %add3A_40, %mul3A_49 : i32
      %add3A_51 = arith.addi %mul3A_2, %mul3A_50 : i32
      %dma_wait3A_52 = arith.constant 0 : i32
      %dma_wait3A_53 = arith.constant 0 : i32
      %dma_wait3A_54 = tpu.memref_slice %arg8[%dma_wait3A_52, %dma_wait3A_53] : memref<16x4096xf32, #tpu.memory_space<vmem>> -> memref<8x4096xf32, #tpu.memory_space<vmem>>
      %dma_wait3A_55 = arith.constant 0 : i32
      %dma_wait3A_56 = tpu.memref_slice %arg2[%add3A_51, %dma_wait3A_55] : memref<4096x4096xf32, #tpu.memory_space<hbm>> -> memref<8x4096xf32, #tpu.memory_space<hbm>>
      %dma_wait3A_57 = arith.constant 0 : i32
      %dma_wait3A_58 = arith.constant 0 : i32
      %dma_wait3A_59 = tpu.memref_slice %arg8[%dma_wait3A_57, %dma_wait3A_58] : memref<16x4096xf32, #tpu.memory_space<vmem>> -> memref<8x4096xf32, #tpu.memory_space<vmem>>
      %dma_wait3A_60 = arith.constant 0 : i32
      %dma_wait3A_61 = tpu.memref_slice %arg2[%add3A_51, %dma_wait3A_60] : memref<4096x4096xf32, #tpu.memory_space<hbm>> -> memref<8x4096xf32, #tpu.memory_space<hbm>>
      tpu.wait_dma2 semaphore(%arg9 : memref<!tpu.dma_semaphore, #tpu.memory_space<semaphore_mem>>) src(%dma_wait3A_61 : memref<8x4096xf32, #tpu.memory_space<hbm>>) dst(%dma_wait3A_59 : memref<8x4096xf32, #tpu.memory_space<vmem>>)
      %mul3A_62 = arith.constant 8 : i32
      %mul3A_63 = arith.muli %add3A_40, %mul3A_62 : i32
      %get3A = arith.index_cast %mul3A_63 : i32 to index
      %get3A_64 = tpu.vector_load %arg7[%get3A] {strides = array<i32>} : memref<144xf32, #tpu.memory_space<vmem>>, vector<16xf32>,
      %get3A_65 = vector.shape_cast %get3A_64 : vector<16xf32> to vector<16xf32>
      %parallel_loop3A = arith.constant 0 : i32
      %parallel_loop3A_66 = arith.constant 256 : i32
      %parallel_loop3A_67 = arith.constant 1 : i32
      scf.for %parallel_loop3A_129 = %parallel_loop3A to %parallel_loop3A_66 step %parallel_loop3A_67  : i32 {
        %parallel_loop3A_130 = arith.constant 16 : i32
        %parallel_loop3A_131 = arith.muli %parallel_loop3A_129, %parallel_loop3A_130 : i32
        %parallel_loop3A_132 = arith.index_cast %parallel_loop3A_131 : i32 to index
        %parallel_loop3A_133 = tpu.vector_load %arg6[%parallel_loop3A_132] {strides = array<i32>} : memref<4096xf32, #tpu.memory_space<vmem>>, vector<16xf32>,
        %parallel_loop3A_134 = vector.shape_cast %parallel_loop3A_133 : vector<16xf32> to vector<16xf32>
        %parallel_loop3A_135 = arith.constant 0 : i32
        %parallel_loop3A_136 = arith.index_cast %parallel_loop3A_135 : i32 to index
        %parallel_loop3A_137 = arith.index_cast %parallel_loop3A_131 : i32 to index
        %parallel_loop3A_138 = tpu.vector_load %arg8[%parallel_loop3A_136, %parallel_loop3A_137] {strides = array<i32>} : memref<16x4096xf32, #tpu.memory_space<vmem>>, vector<1x16xf32>,
        %parallel_loop3A_139 = vector.shape_cast %parallel_loop3A_138 : vector<1x16xf32> to vector<16xf32>
        %parallel_loop3A_140 = vector.extract_strided_slice %get3A_65 {offsets = [0], sizes = [1], strides = [1]} : vector<16xf32> to vector<1xf32>
        %parallel_loop3A_141 = vector.extract %parallel_loop3A_140[0] : f32 from vector<1xf32>
        %parallel_loop3A_142 = vector.broadcast %parallel_loop3A_141 : f32 to vector<16xf32>
        %parallel_loop3A_143 = arith.mulf %parallel_loop3A_142, %parallel_loop3A_134 : vector<16xf32>
        %parallel_loop3A_144 = arith.addf %parallel_loop3A_139, %parallel_loop3A_143 : vector<16xf32>
        %parallel_loop3A_145 = arith.constant 0.000000e+00 : f32
        %parallel_loop3A_146 = vector.broadcast %parallel_loop3A_145 : f32 to vector<16xf32>
        %parallel_loop3A_147 = arith.maximumf %parallel_loop3A_144, %parallel_loop3A_146 : vector<16xf32>
        %parallel_loop3A_148 = arith.constant 0 : i32
        %parallel_loop3A_149 = arith.index_cast %parallel_loop3A_148 : i32 to index
        %parallel_loop3A_150 = arith.index_cast %parallel_loop3A_131 : i32 to index
        %parallel_loop3A_151 = tpu.vector_load %arg8[%parallel_loop3A_149, %parallel_loop3A_150] {strides = array<i32>} : memref<16x4096xf32, #tpu.memory_space<vmem>>, vector<1x16xf32>,
        %parallel_loop3A_152 = vector.shape_cast %parallel_loop3A_151 : vector<1x16xf32> to vector<16xf32>
        %parallel_loop3A_153 = vector.shape_cast %parallel_loop3A_147 : vector<16xf32> to vector<1x16xf32>
        tpu.vector_store %arg8[%parallel_loop3A_149, %parallel_loop3A_150], %parallel_loop3A_153 {strides = array<i32>} : memref<16x4096xf32, #tpu.memory_space<vmem>>, vector<1x16xf32>,
        %parallel_loop3A_154 = arith.constant 1 : i32
        %parallel_loop3A_155 = arith.index_cast %parallel_loop3A_154 : i32 to index
        %parallel_loop3A_156 = arith.index_cast %parallel_loop3A_131 : i32 to index
        %parallel_loop3A_157 = tpu.vector_load %arg8[%parallel_loop3A_155, %parallel_loop3A_156] {strides = array<i32>} : memref<16x4096xf32, #tpu.memory_space<vmem>>, vector<1x16xf32>,
        %parallel_loop3A_158 = vector.shape_cast %parallel_loop3A_157 : vector<1x16xf32> to vector<16xf32>
        %parallel_loop3A_159 = vector.extract_strided_slice %get3A_65 {offsets = [1], sizes = [1], strides = [1]} : vector<16xf32> to vector<1xf32>
        %parallel_loop3A_160 = vector.extract %parallel_loop3A_159[0] : f32 from vector<1xf32>
        %parallel_loop3A_161 = vector.broadcast %parallel_loop3A_160 : f32 to vector<16xf32>
        %parallel_loop3A_162 = arith.mulf %parallel_loop3A_161, %parallel_loop3A_134 : vector<16xf32>
        %parallel_loop3A_163 = arith.addf %parallel_loop3A_158, %parallel_loop3A_162 : vector<16xf32>
        %parallel_loop3A_164 = arith.constant 0.000000e+00 : f32
        %parallel_loop3A_165 = vector.broadcast %parallel_loop3A_164 : f32 to vector<16xf32>
        %parallel_loop3A_166 = arith.maximumf %parallel_loop3A_163, %parallel_loop3A_165 : vector<16xf32>
        %parallel_loop3A_167 = arith.constant 1 : i32
        %parallel_loop3A_168 = arith.index_cast %parallel_loop3A_167 : i32 to index
        %parallel_loop3A_169 = arith.index_cast %parallel_loop3A_131 : i32 to index
        %parallel_loop3A_170 = tpu.vector_load %arg8[%parallel_loop3A_168, %parallel_loop3A_169] {strides = array<i32>} : memref<16x4096xf32, #tpu.memory_space<vmem>>, vector<1x16xf32>,
        %parallel_loop3A_171 = vector.shape_cast %parallel_loop3A_170 : vector<1x16xf32> to vector<16xf32>
        %parallel_loop3A_172 = vector.shape_cast %parallel_loop3A_166 : vector<16xf32> to vector<1x16xf32>
        tpu.vector_store %arg8[%parallel_loop3A_168, %parallel_loop3A_169], %parallel_loop3A_172 {strides = array<i32>} : memref<16x4096xf32, #tpu.memory_space<vmem>>, vector<1x16xf32>,
        %parallel_loop3A_173 = arith.constant 2 : i32
        %parallel_loop3A_174 = arith.index_cast %parallel_loop3A_173 : i32 to index
        %parallel_loop3A_175 = arith.index_cast %parallel_loop3A_131 : i32 to index
        %parallel_loop3A_176 = tpu.vector_load %arg8[%parallel_loop3A_174, %parallel_loop3A_175] {strides = array<i32>} : memref<16x4096xf32, #tpu.memory_space<vmem>>, vector<1x16xf32>,
        %parallel_loop3A_177 = vector.shape_cast %parallel_loop3A_176 : vector<1x16xf32> to vector<16xf32>
        %parallel_loop3A_178 = vector.extract_strided_slice %get3A_65 {offsets = [2], sizes = [1], strides = [1]} : vector<16xf32> to vector<1xf32>
        %parallel_loop3A_179 = vector.extract %parallel_loop3A_178[0] : f32 from vector<1xf32>
        %parallel_loop3A_180 = vector.broadcast %parallel_loop3A_179 : f32 to vector<16xf32>
        %parallel_loop3A_181 = arith.mulf %parallel_loop3A_180, %parallel_loop3A_134 : vector<16xf32>
        %parallel_loop3A_182 = arith.addf %parallel_loop3A_177, %parallel_loop3A_181 : vector<16xf32>
        %parallel_loop3A_183 = arith.constant 0.000000e+00 : f32
        %parallel_loop3A_184 = vector.broadcast %parallel_loop3A_183 : f32 to vector<16xf32>
        %parallel_loop3A_185 = arith.maximumf %parallel_loop3A_182, %parallel_loop3A_184 : vector<16xf32>
        %parallel_loop3A_186 = arith.constant 2 : i32
        %parallel_loop3A_187 = arith.index_cast %parallel_loop3A_186 : i32 to index
        %parallel_loop3A_188 = arith.index_cast %parallel_loop3A_131 : i32 to index
        %parallel_loop3A_189 = tpu.vector_load %arg8[%parallel_loop3A_187, %parallel_loop3A_188] {strides = array<i32>} : memref<16x4096xf32, #tpu.memory_space<vmem>>, vector<1x16xf32>,
        %parallel_loop3A_190 = vector.shape_cast %parallel_loop3A_189 : vector<1x16xf32> to vector<16xf32>
        %parallel_loop3A_191 = vector.shape_cast %parallel_loop3A_185 : vector<16xf32> to vector<1x16xf32>
        tpu.vector_store %arg8[%parallel_loop3A_187, %parallel_loop3A_188], %parallel_loop3A_191 {strides = array<i32>} : memref<16x4096xf32, #tpu.memory_space<vmem>>, vector<1x16xf32>,
        %parallel_loop3A_192 = arith.constant 3 : i32
        %parallel_loop3A_193 = arith.index_cast %parallel_loop3A_192 : i32 to index
        %parallel_loop3A_194 = arith.index_cast %parallel_loop3A_131 : i32 to index
        %parallel_loop3A_195 = tpu.vector_load %arg8[%parallel_loop3A_193, %parallel_loop3A_194] {strides = array<i32>} : memref<16x4096xf32, #tpu.memory_space<vmem>>, vector<1x16xf32>,
        %parallel_loop3A_196 = vector.shape_cast %parallel_loop3A_195 : vector<1x16xf32> to vector<16xf32>
        %parallel_loop3A_197 = vector.extract_strided_slice %get3A_65 {offsets = [3], sizes = [1], strides = [1]} : vector<16xf32> to vector<1xf32>
        %parallel_loop3A_198 = vector.extract %parallel_loop3A_197[0] : f32 from vector<1xf32>
        %parallel_loop3A_199 = vector.broadcast %parallel_loop3A_198 : f32 to vector<16xf32>
        %parallel_loop3A_200 = arith.mulf %parallel_loop3A_199, %parallel_loop3A_134 : vector<16xf32>
        %parallel_loop3A_201 = arith.addf %parallel_loop3A_196, %parallel_loop3A_200 : vector<16xf32>
        %parallel_loop3A_202 = arith.constant 0.000000e+00 : f32
        %parallel_loop3A_203 = vector.broadcast %parallel_loop3A_202 : f32 to vector<16xf32>
        %parallel_loop3A_204 = arith.maximumf %parallel_loop3A_201, %parallel_loop3A_203 : vector<16xf32>
        %parallel_loop3A_205 = arith.constant 3 : i32
        %parallel_loop3A_206 = arith.index_cast %parallel_loop3A_205 : i32 to index
        %parallel_loop3A_207 = arith.index_cast %parallel_loop3A_131 : i32 to index
        %parallel_loop3A_208 = tpu.vector_load %arg8[%parallel_loop3A_206, %parallel_loop3A_207] {strides = array<i32>} : memref<16x4096xf32, #tpu.memory_space<vmem>>, vector<1x16xf32>,
        %parallel_loop3A_209 = vector.shape_cast %parallel_loop3A_208 : vector<1x16xf32> to vector<16xf32>
        %parallel_loop3A_210 = vector.shape_cast %parallel_loop3A_204 : vector<16xf32> to vector<1x16xf32>
        tpu.vector_store %arg8[%parallel_loop3A_206, %parallel_loop3A_207], %parallel_loop3A_210 {strides = array<i32>} : memref<16x4096xf32, #tpu.memory_space<vmem>>, vector<1x16xf32>,
        %parallel_loop3A_211 = arith.constant 4 : i32
        %parallel_loop3A_212 = arith.index_cast %parallel_loop3A_211 : i32 to index
        %parallel_loop3A_213 = arith.index_cast %parallel_loop3A_131 : i32 to index
        %parallel_loop3A_214 = tpu.vector_load %arg8[%parallel_loop3A_212, %parallel_loop3A_213] {strides = array<i32>} : memref<16x4096xf32, #tpu.memory_space<vmem>>, vector<1x16xf32>,
        %parallel_loop3A_215 = vector.shape_cast %parallel_loop3A_214 : vector<1x16xf32> to vector<16xf32>
        %parallel_loop3A_216 = vector.extract_strided_slice %get3A_65 {offsets = [4], sizes = [1], strides = [1]} : vector<16xf32> to vector<1xf32>
        %parallel_loop3A_217 = vector.extract %parallel_loop3A_216[0] : f32 from vector<1xf32>
        %parallel_loop3A_218 = vector.broadcast %parallel_loop3A_217 : f32 to vector<16xf32>
        %parallel_loop3A_219 = arith.mulf %parallel_loop3A_218, %parallel_loop3A_134 : vector<16xf32>
        %parallel_loop3A_220 = arith.addf %parallel_loop3A_215, %parallel_loop3A_219 : vector<16xf32>
        %parallel_loop3A_221 = arith.constant 0.000000e+00 : f32
        %parallel_loop3A_222 = vector.broadcast %parallel_loop3A_221 : f32 to vector<16xf32>
        %parallel_loop3A_223 = arith.maximumf %parallel_loop3A_220, %parallel_loop3A_222 : vector<16xf32>
        %parallel_loop3A_224 = arith.constant 4 : i32
        %parallel_loop3A_225 = arith.index_cast %parallel_loop3A_224 : i32 to index
        %parallel_loop3A_226 = arith.index_cast %parallel_loop3A_131 : i32 to index
        %parallel_loop3A_227 = tpu.vector_load %arg8[%parallel_loop3A_225, %parallel_loop3A_226] {strides = array<i32>} : memref<16x4096xf32, #tpu.memory_space<vmem>>, vector<1x16xf32>,
        %parallel_loop3A_228 = vector.shape_cast %parallel_loop3A_227 : vector<1x16xf32> to vector<16xf32>
        %parallel_loop3A_229 = vector.shape_cast %parallel_loop3A_223 : vector<16xf32> to vector<1x16xf32>
        tpu.vector_store %arg8[%parallel_loop3A_225, %parallel_loop3A_226], %parallel_loop3A_229 {strides = array<i32>} : memref<16x4096xf32, #tpu.memory_space<vmem>>, vector<1x16xf32>,
        %parallel_loop3A_230 = arith.constant 5 : i32
        %parallel_loop3A_231 = arith.index_cast %parallel_loop3A_230 : i32 to index
        %parallel_loop3A_232 = arith.index_cast %parallel_loop3A_131 : i32 to index
        %parallel_loop3A_233 = tpu.vector_load %arg8[%parallel_loop3A_231, %parallel_loop3A_232] {strides = array<i32>} : memref<16x4096xf32, #tpu.memory_space<vmem>>, vector<1x16xf32>,
        %parallel_loop3A_234 = vector.shape_cast %parallel_loop3A_233 : vector<1x16xf32> to vector<16xf32>
        %parallel_loop3A_235 = vector.extract_strided_slice %get3A_65 {offsets = [5], sizes = [1], strides = [1]} : vector<16xf32> to vector<1xf32>
        %parallel_loop3A_236 = vector.extract %parallel_loop3A_235[0] : f32 from vector<1xf32>
        %parallel_loop3A_237 = vector.broadcast %parallel_loop3A_236 : f32 to vector<16xf32>
        %parallel_loop3A_238 = arith.mulf %parallel_loop3A_237, %parallel_loop3A_134 : vector<16xf32>
        %parallel_loop3A_239 = arith.addf %parallel_loop3A_234, %parallel_loop3A_238 : vector<16xf32>
        %parallel_loop3A_240 = arith.constant 0.000000e+00 : f32
        %parallel_loop3A_241 = vector.broadcast %parallel_loop3A_240 : f32 to vector<16xf32>
        %parallel_loop3A_242 = arith.maximumf %parallel_loop3A_239, %parallel_loop3A_241 : vector<16xf32>
        %parallel_loop3A_243 = arith.constant 5 : i32
        %parallel_loop3A_244 = arith.index_cast %parallel_loop3A_243 : i32 to index
        %parallel_loop3A_245 = arith.index_cast %parallel_loop3A_131 : i32 to index
        %parallel_loop3A_246 = tpu.vector_load %arg8[%parallel_loop3A_244, %parallel_loop3A_245] {strides = array<i32>} : memref<16x4096xf32, #tpu.memory_space<vmem>>, vector<1x16xf32>,
        %parallel_loop3A_247 = vector.shape_cast %parallel_loop3A_246 : vector<1x16xf32> to vector<16xf32>
        %parallel_loop3A_248 = vector.shape_cast %parallel_loop3A_242 : vector<16xf32> to vector<1x16xf32>
        tpu.vector_store %arg8[%parallel_loop3A_244, %parallel_loop3A_245], %parallel_loop3A_248 {strides = array<i32>} : memref<16x4096xf32, #tpu.memory_space<vmem>>, vector<1x16xf32>,
        %parallel_loop3A_249 = arith.constant 6 : i32
        %parallel_loop3A_250 = arith.index_cast %parallel_loop3A_249 : i32 to index
        %parallel_loop3A_251 = arith.index_cast %parallel_loop3A_131 : i32 to index
        %parallel_loop3A_252 = tpu.vector_load %arg8[%parallel_loop3A_250, %parallel_loop3A_251] {strides = array<i32>} : memref<16x4096xf32, #tpu.memory_space<vmem>>, vector<1x16xf32>,
        %parallel_loop3A_253 = vector.shape_cast %parallel_loop3A_252 : vector<1x16xf32> to vector<16xf32>
        %parallel_loop3A_254 = vector.extract_strided_slice %get3A_65 {offsets = [6], sizes = [1], strides = [1]} : vector<16xf32> to vector<1xf32>
        %parallel_loop3A_255 = vector.extract %parallel_loop3A_254[0] : f32 from vector<1xf32>
        %parallel_loop3A_256 = vector.broadcast %parallel_loop3A_255 : f32 to vector<16xf32>
        %parallel_loop3A_257 = arith.mulf %parallel_loop3A_256, %parallel_loop3A_134 : vector<16xf32>
        %parallel_loop3A_258 = arith.addf %parallel_loop3A_253, %parallel_loop3A_257 : vector<16xf32>
        %parallel_loop3A_259 = arith.constant 0.000000e+00 : f32
        %parallel_loop3A_260 = vector.broadcast %parallel_loop3A_259 : f32 to vector<16xf32>
        %parallel_loop3A_261 = arith.maximumf %parallel_loop3A_258, %parallel_loop3A_260 : vector<16xf32>
        %parallel_loop3A_262 = arith.constant 6 : i32
        %parallel_loop3A_263 = arith.index_cast %parallel_loop3A_262 : i32 to index
        %parallel_loop3A_264 = arith.index_cast %parallel_loop3A_131 : i32 to index
        %parallel_loop3A_265 = tpu.vector_load %arg8[%parallel_loop3A_263, %parallel_loop3A_264] {strides = array<i32>} : memref<16x4096xf32, #tpu.memory_space<vmem>>, vector<1x16xf32>,
        %parallel_loop3A_266 = vector.shape_cast %parallel_loop3A_265 : vector<1x16xf32> to vector<16xf32>
        %parallel_loop3A_267 = vector.shape_cast %parallel_loop3A_261 : vector<16xf32> to vector<1x16xf32>
        tpu.vector_store %arg8[%parallel_loop3A_263, %parallel_loop3A_264], %parallel_loop3A_267 {strides = array<i32>} : memref<16x4096xf32, #tpu.memory_space<vmem>>, vector<1x16xf32>,
        %parallel_loop3A_268 = arith.constant 7 : i32
        %parallel_loop3A_269 = arith.index_cast %parallel_loop3A_268 : i32 to index
        %parallel_loop3A_270 = arith.index_cast %parallel_loop3A_131 : i32 to index
        %parallel_loop3A_271 = tpu.vector_load %arg8[%parallel_loop3A_269, %parallel_loop3A_270] {strides = array<i32>} : memref<16x4096xf32, #tpu.memory_space<vmem>>, vector<1x16xf32>,
        %parallel_loop3A_272 = vector.shape_cast %parallel_loop3A_271 : vector<1x16xf32> to vector<16xf32>
        %parallel_loop3A_273 = vector.extract_strided_slice %get3A_65 {offsets = [7], sizes = [1], strides = [1]} : vector<16xf32> to vector<1xf32>
        %parallel_loop3A_274 = vector.extract %parallel_loop3A_273[0] : f32 from vector<1xf32>
        %parallel_loop3A_275 = vector.broadcast %parallel_loop3A_274 : f32 to vector<16xf32>
        %parallel_loop3A_276 = arith.mulf %parallel_loop3A_275, %parallel_loop3A_134 : vector<16xf32>
        %parallel_loop3A_277 = arith.addf %parallel_loop3A_272, %parallel_loop3A_276 : vector<16xf32>
        %parallel_loop3A_278 = arith.constant 0.000000e+00 : f32
        %parallel_loop3A_279 = vector.broadcast %parallel_loop3A_278 : f32 to vector<16xf32>
        %parallel_loop3A_280 = arith.maximumf %parallel_loop3A_277, %parallel_loop3A_279 : vector<16xf32>
        %parallel_loop3A_281 = arith.constant 7 : i32
        %parallel_loop3A_282 = arith.index_cast %parallel_loop3A_281 : i32 to index
        %parallel_loop3A_283 = arith.index_cast %parallel_loop3A_131 : i32 to index
        %parallel_loop3A_284 = tpu.vector_load %arg8[%parallel_loop3A_282, %parallel_loop3A_283] {strides = array<i32>} : memref<16x4096xf32, #tpu.memory_space<vmem>>, vector<1x16xf32>,
        %parallel_loop3A_285 = vector.shape_cast %parallel_loop3A_284 : vector<1x16xf32> to vector<16xf32>
        %parallel_loop3A_286 = vector.shape_cast %parallel_loop3A_280 : vector<16xf32> to vector<1x16xf32>
        tpu.vector_store %arg8[%parallel_loop3A_282, %parallel_loop3A_283], %parallel_loop3A_286 {strides = array<i32>} : memref<16x4096xf32, #tpu.memory_space<vmem>>, vector<1x16xf32>,
      } {sc.loop_unroll_factor = 2 : i64, sc.parallel_access}
      %mul3A_68 = arith.constant 8 : i32
      %mul3A_69 = arith.muli %add3A_40, %mul3A_68 : i32
      %add3A_70 = arith.addi %mul3A_2, %mul3A_69 : i32
      %dma_start3A_71 = arith.constant 0 : i32
      %dma_start3A_72 = arith.constant 0 : i32
      %dma_start3A_73 = tpu.memref_slice %arg8[%dma_start3A_71, %dma_start3A_72] : memref<16x4096xf32, #tpu.memory_space<vmem>> -> memref<8x4096xf32, #tpu.memory_space<vmem>>
      %dma_start3A_74 = arith.constant 0 : i32
      %dma_start3A_75 = tpu.memref_slice %arg5[%add3A_70, %dma_start3A_74] : memref<4096x4096xf32, #tpu.memory_space<hbm>> -> memref<8x4096xf32, #tpu.memory_space<hbm>>
      %dma_start3A_76 = arith.constant 0 : i32
      %dma_start3A_77 = tpu.memref_slice %arg5[%add3A_70, %dma_start3A_76] : memref<4096x4096xf32, #tpu.memory_space<hbm>> -> memref<8x4096xf32, #tpu.memory_space<hbm>>
      %dma_start3A_78 = arith.constant 0 : i32
      %dma_start3A_79 = arith.constant 0 : i32
      %dma_start3A_80 = tpu.memref_slice %arg8[%dma_start3A_78, %dma_start3A_79] : memref<16x4096xf32, #tpu.memory_space<vmem>> -> memref<8x4096xf32, #tpu.memory_space<vmem>>
      tpu.enqueue_dma source(%dma_start3A_80 : memref<8x4096xf32, #tpu.memory_space<vmem>>) target(%dma_start3A_77 : memref<8x4096xf32, #tpu.memory_space<hbm>>) target_semaphore(%arg11 : memref<!tpu.dma_semaphore, #tpu.memory_space<semaphore_mem>>)
      %add3A_81 = arith.constant 1 : i32
      %add3A_82 = arith.addi %add3A_38, %add3A_81 : i32
      %ge3A_83 = arith.constant 1 : i32
      %ge3A_84 = arith.cmpi sge, %add3A_82, %ge3A_83 : i32
      %convert_element_type3A_85 = arith.extui %ge3A_84 : i1 to i32
      %cond3A_86 = arith.constant 0 : i32
      %cond3A_87 = arith.cmpi ne, %convert_element_type3A_85, %cond3A_86 : i32
      scf.if %cond3A_87 {
        %sub3A = arith.constant 1 : i32
        %sub3A_129 = arith.subi %add3A_82, %sub3A : i32
        %mul3A_130 = arith.constant 8 : i32
        %mul3A_131 = arith.muli %sub3A_129, %mul3A_130 : i32
        %add3A_132 = arith.addi %mul3A_2, %mul3A_131 : i32
        %dma_wait3A_133 = arith.constant 0 : i32
        %dma_wait3A_134 = arith.constant 0 : i32
        %dma_wait3A_135 = tpu.memref_slice %arg8[%dma_wait3A_133, %dma_wait3A_134] : memref<16x4096xf32, #tpu.memory_space<vmem>> -> memref<8x4096xf32, #tpu.memory_space<vmem>>
        %dma_wait3A_136 = arith.constant 0 : i32
        %dma_wait3A_137 = tpu.memref_slice %arg5[%add3A_132, %dma_wait3A_136] : memref<4096x4096xf32, #tpu.memory_space<hbm>> -> memref<8x4096xf32, #tpu.memory_space<hbm>>
        %dma_wait3A_138 = arith.constant 0 : i32
        %dma_wait3A_139 = tpu.memref_slice %arg5[%add3A_132, %dma_wait3A_138] : memref<4096x4096xf32, #tpu.memory_space<hbm>> -> memref<8x4096xf32, #tpu.memory_space<hbm>>
        %dma_wait3A_140 = arith.constant 0 : i32
        %dma_wait3A_141 = arith.constant 0 : i32
        %dma_wait3A_142 = tpu.memref_slice %arg8[%dma_wait3A_140, %dma_wait3A_141] : memref<16x4096xf32, #tpu.memory_space<vmem>> -> memref<8x4096xf32, #tpu.memory_space<vmem>>
        tpu.wait_dma2 semaphore(%arg11 : memref<!tpu.dma_semaphore, #tpu.memory_space<semaphore_mem>>) src(%dma_wait3A_142 : memref<8x4096xf32, #tpu.memory_space<vmem>>) dst(%dma_wait3A_139 : memref<8x4096xf32, #tpu.memory_space<hbm>>)
      } else {
      }
      %add3A_88 = arith.constant 1 : i32
      %add3A_89 = arith.addi %add3A_82, %add3A_88 : i32
      %lt3A_90 = arith.constant 16 : i32
      %lt3A_91 = arith.cmpi slt, %add3A_89, %lt3A_90 : i32
      %convert_element_type3A_92 = arith.extui %lt3A_91 : i1 to i32
      %cond3A_93 = arith.constant 0 : i32
      %cond3A_94 = arith.cmpi ne, %convert_element_type3A_92, %cond3A_93 : i32
      scf.if %cond3A_94 {
        %add3A_129 = arith.constant 1 : i32
        %add3A_130 = arith.addi %add3A_82, %add3A_129 : i32
        %mul3A_131 = arith.constant 8 : i32
        %mul3A_132 = arith.muli %add3A_130, %mul3A_131 : i32
        %add3A_133 = arith.addi %mul3A_2, %mul3A_132 : i32
        %dma_start3A_134 = arith.constant 0 : i32
        %dma_start3A_135 = arith.constant 0 : i32
        %dma_start3A_136 = tpu.memref_slice %arg8[%dma_start3A_134, %dma_start3A_135] : memref<16x4096xf32, #tpu.memory_space<vmem>> -> memref<8x4096xf32, #tpu.memory_space<vmem>>
        %dma_start3A_137 = arith.constant 0 : i32
        %dma_start3A_138 = tpu.memref_slice %arg2[%add3A_133, %dma_start3A_137] : memref<4096x4096xf32, #tpu.memory_space<hbm>> -> memref<8x4096xf32, #tpu.memory_space<hbm>>
        %dma_start3A_139 = arith.constant 0 : i32
        %dma_start3A_140 = arith.constant 0 : i32
        %dma_start3A_141 = tpu.memref_slice %arg8[%dma_start3A_139, %dma_start3A_140] : memref<16x4096xf32, #tpu.memory_space<vmem>> -> memref<8x4096xf32, #tpu.memory_space<vmem>>
        %dma_start3A_142 = arith.constant 0 : i32
        %dma_start3A_143 = tpu.memref_slice %arg2[%add3A_133, %dma_start3A_142] : memref<4096x4096xf32, #tpu.memory_space<hbm>> -> memref<8x4096xf32, #tpu.memory_space<hbm>>
        tpu.enqueue_dma source(%dma_start3A_143 : memref<8x4096xf32, #tpu.memory_space<hbm>>) target(%dma_start3A_141 : memref<8x4096xf32, #tpu.memory_space<vmem>>) target_semaphore(%arg9 : memref<!tpu.dma_semaphore, #tpu.memory_space<semaphore_mem>>)
      } else {
      }
      %mul3A_95 = arith.constant 8 : i32
      %mul3A_96 = arith.muli %add3A_82, %mul3A_95 : i32
      %add3A_97 = arith.addi %mul3A_2, %mul3A_96 : i32
      %dma_wait3A_98 = arith.constant 8 : i32
      %dma_wait3A_99 = arith.constant 0 : i32
      %dma_wait3A_100 = tpu.memref_slice %arg8[%dma_wait3A_98, %dma_wait3A_99] : memref<16x4096xf32, #tpu.memory_space<vmem>> -> memref<8x4096xf32, #tpu.memory_space<vmem>>
      %dma_wait3A_101 = arith.constant 0 : i32
      %dma_wait3A_102 = tpu.memref_slice %arg2[%add3A_97, %dma_wait3A_101] : memref<4096x4096xf32, #tpu.memory_space<hbm>> -> memref<8x4096xf32, #tpu.memory_space<hbm>>
      %dma_wait3A_103 = arith.constant 8 : i32
      %dma_wait3A_104 = arith.constant 0 : i32
      %dma_wait3A_105 = tpu.memref_slice %arg8[%dma_wait3A_103, %dma_wait3A_104] : memref<16x4096xf32, #tpu.memory_space<vmem>> -> memref<8x4096xf32, #tpu.memory_space<vmem>>
      %dma_wait3A_106 = arith.constant 0 : i32
      %dma_wait3A_107 = tpu.memref_slice %arg2[%add3A_97, %dma_wait3A_106] : memref<4096x4096xf32, #tpu.memory_space<hbm>> -> memref<8x4096xf32, #tpu.memory_space<hbm>>
      tpu.wait_dma2 semaphore(%arg10 : memref<!tpu.dma_semaphore, #tpu.memory_space<semaphore_mem>>) src(%dma_wait3A_107 : memref<8x4096xf32, #tpu.memory_space<hbm>>) dst(%dma_wait3A_105 : memref<8x4096xf32, #tpu.memory_space<vmem>>)
      %mul3A_108 = arith.constant 8 : i32
      %mul3A_109 = arith.muli %add3A_82, %mul3A_108 : i32
      %get3A_110 = arith.index_cast %mul3A_109 : i32 to index
      %get3A_111 = tpu.vector_load %arg7[%get3A_110] {strides = array<i32>} : memref<144xf32, #tpu.memory_space<vmem>>, vector<16xf32>,
      %get3A_112 = vector.shape_cast %get3A_111 : vector<16xf32> to vector<16xf32>
      %parallel_loop3A_113 = arith.constant 0 : i32
      %parallel_loop3A_114 = arith.constant 256 : i32
      %parallel_loop3A_115 = arith.constant 1 : i32
      scf.for %parallel_loop3A_129 = %parallel_loop3A_113 to %parallel_loop3A_114 step %parallel_loop3A_115  : i32 {
        %parallel_loop3A_130 = arith.constant 16 : i32
        %parallel_loop3A_131 = arith.muli %parallel_loop3A_129, %parallel_loop3A_130 : i32
        %parallel_loop3A_132 = arith.index_cast %parallel_loop3A_131 : i32 to index
        %parallel_loop3A_133 = tpu.vector_load %arg6[%parallel_loop3A_132] {strides = array<i32>} : memref<4096xf32, #tpu.memory_space<vmem>>, vector<16xf32>,
        %parallel_loop3A_134 = vector.shape_cast %parallel_loop3A_133 : vector<16xf32> to vector<16xf32>
        %parallel_loop3A_135 = arith.constant 8 : i32
        %parallel_loop3A_136 = arith.index_cast %parallel_loop3A_135 : i32 to index
        %parallel_loop3A_137 = arith.index_cast %parallel_loop3A_131 : i32 to index
        %parallel_loop3A_138 = tpu.vector_load %arg8[%parallel_loop3A_136, %parallel_loop3A_137] {strides = array<i32>} : memref<16x4096xf32, #tpu.memory_space<vmem>>, vector<1x16xf32>,
        %parallel_loop3A_139 = vector.shape_cast %parallel_loop3A_138 : vector<1x16xf32> to vector<16xf32>
        %parallel_loop3A_140 = vector.extract_strided_slice %get3A_112 {offsets = [0], sizes = [1], strides = [1]} : vector<16xf32> to vector<1xf32>
        %parallel_loop3A_141 = vector.extract %parallel_loop3A_140[0] : f32 from vector<1xf32>
        %parallel_loop3A_142 = vector.broadcast %parallel_loop3A_141 : f32 to vector<16xf32>
        %parallel_loop3A_143 = arith.mulf %parallel_loop3A_142, %parallel_loop3A_134 : vector<16xf32>
        %parallel_loop3A_144 = arith.addf %parallel_loop3A_139, %parallel_loop3A_143 : vector<16xf32>
        %parallel_loop3A_145 = arith.constant 0.000000e+00 : f32
        %parallel_loop3A_146 = vector.broadcast %parallel_loop3A_145 : f32 to vector<16xf32>
        %parallel_loop3A_147 = arith.maximumf %parallel_loop3A_144, %parallel_loop3A_146 : vector<16xf32>
        %parallel_loop3A_148 = arith.constant 8 : i32
        %parallel_loop3A_149 = arith.index_cast %parallel_loop3A_148 : i32 to index
        %parallel_loop3A_150 = arith.index_cast %parallel_loop3A_131 : i32 to index
        %parallel_loop3A_151 = tpu.vector_load %arg8[%parallel_loop3A_149, %parallel_loop3A_150] {strides = array<i32>} : memref<16x4096xf32, #tpu.memory_space<vmem>>, vector<1x16xf32>,
        %parallel_loop3A_152 = vector.shape_cast %parallel_loop3A_151 : vector<1x16xf32> to vector<16xf32>
        %parallel_loop3A_153 = vector.shape_cast %parallel_loop3A_147 : vector<16xf32> to vector<1x16xf32>
        tpu.vector_store %arg8[%parallel_loop3A_149, %parallel_loop3A_150], %parallel_loop3A_153 {strides = array<i32>} : memref<16x4096xf32, #tpu.memory_space<vmem>>, vector<1x16xf32>,
        %parallel_loop3A_154 = arith.constant 9 : i32
        %parallel_loop3A_155 = arith.index_cast %parallel_loop3A_154 : i32 to index
        %parallel_loop3A_156 = arith.index_cast %parallel_loop3A_131 : i32 to index
        %parallel_loop3A_157 = tpu.vector_load %arg8[%parallel_loop3A_155, %parallel_loop3A_156] {strides = array<i32>} : memref<16x4096xf32, #tpu.memory_space<vmem>>, vector<1x16xf32>,
        %parallel_loop3A_158 = vector.shape_cast %parallel_loop3A_157 : vector<1x16xf32> to vector<16xf32>
        %parallel_loop3A_159 = vector.extract_strided_slice %get3A_112 {offsets = [1], sizes = [1], strides = [1]} : vector<16xf32> to vector<1xf32>
        %parallel_loop3A_160 = vector.extract %parallel_loop3A_159[0] : f32 from vector<1xf32>
        %parallel_loop3A_161 = vector.broadcast %parallel_loop3A_160 : f32 to vector<16xf32>
        %parallel_loop3A_162 = arith.mulf %parallel_loop3A_161, %parallel_loop3A_134 : vector<16xf32>
        %parallel_loop3A_163 = arith.addf %parallel_loop3A_158, %parallel_loop3A_162 : vector<16xf32>
        %parallel_loop3A_164 = arith.constant 0.000000e+00 : f32
        %parallel_loop3A_165 = vector.broadcast %parallel_loop3A_164 : f32 to vector<16xf32>
        %parallel_loop3A_166 = arith.maximumf %parallel_loop3A_163, %parallel_loop3A_165 : vector<16xf32>
        %parallel_loop3A_167 = arith.constant 9 : i32
        %parallel_loop3A_168 = arith.index_cast %parallel_loop3A_167 : i32 to index
        %parallel_loop3A_169 = arith.index_cast %parallel_loop3A_131 : i32 to index
        %parallel_loop3A_170 = tpu.vector_load %arg8[%parallel_loop3A_168, %parallel_loop3A_169] {strides = array<i32>} : memref<16x4096xf32, #tpu.memory_space<vmem>>, vector<1x16xf32>,
        %parallel_loop3A_171 = vector.shape_cast %parallel_loop3A_170 : vector<1x16xf32> to vector<16xf32>
        %parallel_loop3A_172 = vector.shape_cast %parallel_loop3A_166 : vector<16xf32> to vector<1x16xf32>
        tpu.vector_store %arg8[%parallel_loop3A_168, %parallel_loop3A_169], %parallel_loop3A_172 {strides = array<i32>} : memref<16x4096xf32, #tpu.memory_space<vmem>>, vector<1x16xf32>,
        %parallel_loop3A_173 = arith.constant 10 : i32
        %parallel_loop3A_174 = arith.index_cast %parallel_loop3A_173 : i32 to index
        %parallel_loop3A_175 = arith.index_cast %parallel_loop3A_131 : i32 to index
        %parallel_loop3A_176 = tpu.vector_load %arg8[%parallel_loop3A_174, %parallel_loop3A_175] {strides = array<i32>} : memref<16x4096xf32, #tpu.memory_space<vmem>>, vector<1x16xf32>,
        %parallel_loop3A_177 = vector.shape_cast %parallel_loop3A_176 : vector<1x16xf32> to vector<16xf32>
        %parallel_loop3A_178 = vector.extract_strided_slice %get3A_112 {offsets = [2], sizes = [1], strides = [1]} : vector<16xf32> to vector<1xf32>
        %parallel_loop3A_179 = vector.extract %parallel_loop3A_178[0] : f32 from vector<1xf32>
        %parallel_loop3A_180 = vector.broadcast %parallel_loop3A_179 : f32 to vector<16xf32>
        %parallel_loop3A_181 = arith.mulf %parallel_loop3A_180, %parallel_loop3A_134 : vector<16xf32>
        %parallel_loop3A_182 = arith.addf %parallel_loop3A_177, %parallel_loop3A_181 : vector<16xf32>
        %parallel_loop3A_183 = arith.constant 0.000000e+00 : f32
        %parallel_loop3A_184 = vector.broadcast %parallel_loop3A_183 : f32 to vector<16xf32>
        %parallel_loop3A_185 = arith.maximumf %parallel_loop3A_182, %parallel_loop3A_184 : vector<16xf32>
        %parallel_loop3A_186 = arith.constant 10 : i32
        %parallel_loop3A_187 = arith.index_cast %parallel_loop3A_186 : i32 to index
        %parallel_loop3A_188 = arith.index_cast %parallel_loop3A_131 : i32 to index
        %parallel_loop3A_189 = tpu.vector_load %arg8[%parallel_loop3A_187, %parallel_loop3A_188] {strides = array<i32>} : memref<16x4096xf32, #tpu.memory_space<vmem>>, vector<1x16xf32>,
        %parallel_loop3A_190 = vector.shape_cast %parallel_loop3A_189 : vector<1x16xf32> to vector<16xf32>
        %parallel_loop3A_191 = vector.shape_cast %parallel_loop3A_185 : vector<16xf32> to vector<1x16xf32>
        tpu.vector_store %arg8[%parallel_loop3A_187, %parallel_loop3A_188], %parallel_loop3A_191 {strides = array<i32>} : memref<16x4096xf32, #tpu.memory_space<vmem>>, vector<1x16xf32>,
        %parallel_loop3A_192 = arith.constant 11 : i32
        %parallel_loop3A_193 = arith.index_cast %parallel_loop3A_192 : i32 to index
        %parallel_loop3A_194 = arith.index_cast %parallel_loop3A_131 : i32 to index
        %parallel_loop3A_195 = tpu.vector_load %arg8[%parallel_loop3A_193, %parallel_loop3A_194] {strides = array<i32>} : memref<16x4096xf32, #tpu.memory_space<vmem>>, vector<1x16xf32>,
        %parallel_loop3A_196 = vector.shape_cast %parallel_loop3A_195 : vector<1x16xf32> to vector<16xf32>
        %parallel_loop3A_197 = vector.extract_strided_slice %get3A_112 {offsets = [3], sizes = [1], strides = [1]} : vector<16xf32> to vector<1xf32>
        %parallel_loop3A_198 = vector.extract %parallel_loop3A_197[0] : f32 from vector<1xf32>
        %parallel_loop3A_199 = vector.broadcast %parallel_loop3A_198 : f32 to vector<16xf32>
        %parallel_loop3A_200 = arith.mulf %parallel_loop3A_199, %parallel_loop3A_134 : vector<16xf32>
        %parallel_loop3A_201 = arith.addf %parallel_loop3A_196, %parallel_loop3A_200 : vector<16xf32>
        %parallel_loop3A_202 = arith.constant 0.000000e+00 : f32
        %parallel_loop3A_203 = vector.broadcast %parallel_loop3A_202 : f32 to vector<16xf32>
        %parallel_loop3A_204 = arith.maximumf %parallel_loop3A_201, %parallel_loop3A_203 : vector<16xf32>
        %parallel_loop3A_205 = arith.constant 11 : i32
        %parallel_loop3A_206 = arith.index_cast %parallel_loop3A_205 : i32 to index
        %parallel_loop3A_207 = arith.index_cast %parallel_loop3A_131 : i32 to index
        %parallel_loop3A_208 = tpu.vector_load %arg8[%parallel_loop3A_206, %parallel_loop3A_207] {strides = array<i32>} : memref<16x4096xf32, #tpu.memory_space<vmem>>, vector<1x16xf32>,
        %parallel_loop3A_209 = vector.shape_cast %parallel_loop3A_208 : vector<1x16xf32> to vector<16xf32>
        %parallel_loop3A_210 = vector.shape_cast %parallel_loop3A_204 : vector<16xf32> to vector<1x16xf32>
        tpu.vector_store %arg8[%parallel_loop3A_206, %parallel_loop3A_207], %parallel_loop3A_210 {strides = array<i32>} : memref<16x4096xf32, #tpu.memory_space<vmem>>, vector<1x16xf32>,
        %parallel_loop3A_211 = arith.constant 12 : i32
        %parallel_loop3A_212 = arith.index_cast %parallel_loop3A_211 : i32 to index
        %parallel_loop3A_213 = arith.index_cast %parallel_loop3A_131 : i32 to index
        %parallel_loop3A_214 = tpu.vector_load %arg8[%parallel_loop3A_212, %parallel_loop3A_213] {strides = array<i32>} : memref<16x4096xf32, #tpu.memory_space<vmem>>, vector<1x16xf32>,
        %parallel_loop3A_215 = vector.shape_cast %parallel_loop3A_214 : vector<1x16xf32> to vector<16xf32>
        %parallel_loop3A_216 = vector.extract_strided_slice %get3A_112 {offsets = [4], sizes = [1], strides = [1]} : vector<16xf32> to vector<1xf32>
        %parallel_loop3A_217 = vector.extract %parallel_loop3A_216[0] : f32 from vector<1xf32>
        %parallel_loop3A_218 = vector.broadcast %parallel_loop3A_217 : f32 to vector<16xf32>
        %parallel_loop3A_219 = arith.mulf %parallel_loop3A_218, %parallel_loop3A_134 : vector<16xf32>
        %parallel_loop3A_220 = arith.addf %parallel_loop3A_215, %parallel_loop3A_219 : vector<16xf32>
        %parallel_loop3A_221 = arith.constant 0.000000e+00 : f32
        %parallel_loop3A_222 = vector.broadcast %parallel_loop3A_221 : f32 to vector<16xf32>
        %parallel_loop3A_223 = arith.maximumf %parallel_loop3A_220, %parallel_loop3A_222 : vector<16xf32>
        %parallel_loop3A_224 = arith.constant 12 : i32
        %parallel_loop3A_225 = arith.index_cast %parallel_loop3A_224 : i32 to index
        %parallel_loop3A_226 = arith.index_cast %parallel_loop3A_131 : i32 to index
        %parallel_loop3A_227 = tpu.vector_load %arg8[%parallel_loop3A_225, %parallel_loop3A_226] {strides = array<i32>} : memref<16x4096xf32, #tpu.memory_space<vmem>>, vector<1x16xf32>,
        %parallel_loop3A_228 = vector.shape_cast %parallel_loop3A_227 : vector<1x16xf32> to vector<16xf32>
        %parallel_loop3A_229 = vector.shape_cast %parallel_loop3A_223 : vector<16xf32> to vector<1x16xf32>
        tpu.vector_store %arg8[%parallel_loop3A_225, %parallel_loop3A_226], %parallel_loop3A_229 {strides = array<i32>} : memref<16x4096xf32, #tpu.memory_space<vmem>>, vector<1x16xf32>,
        %parallel_loop3A_230 = arith.constant 13 : i32
        %parallel_loop3A_231 = arith.index_cast %parallel_loop3A_230 : i32 to index
        %parallel_loop3A_232 = arith.index_cast %parallel_loop3A_131 : i32 to index
        %parallel_loop3A_233 = tpu.vector_load %arg8[%parallel_loop3A_231, %parallel_loop3A_232] {strides = array<i32>} : memref<16x4096xf32, #tpu.memory_space<vmem>>, vector<1x16xf32>,
        %parallel_loop3A_234 = vector.shape_cast %parallel_loop3A_233 : vector<1x16xf32> to vector<16xf32>
        %parallel_loop3A_235 = vector.extract_strided_slice %get3A_112 {offsets = [5], sizes = [1], strides = [1]} : vector<16xf32> to vector<1xf32>
        %parallel_loop3A_236 = vector.extract %parallel_loop3A_235[0] : f32 from vector<1xf32>
        %parallel_loop3A_237 = vector.broadcast %parallel_loop3A_236 : f32 to vector<16xf32>
        %parallel_loop3A_238 = arith.mulf %parallel_loop3A_237, %parallel_loop3A_134 : vector<16xf32>
        %parallel_loop3A_239 = arith.addf %parallel_loop3A_234, %parallel_loop3A_238 : vector<16xf32>
        %parallel_loop3A_240 = arith.constant 0.000000e+00 : f32
        %parallel_loop3A_241 = vector.broadcast %parallel_loop3A_240 : f32 to vector<16xf32>
        %parallel_loop3A_242 = arith.maximumf %parallel_loop3A_239, %parallel_loop3A_241 : vector<16xf32>
        %parallel_loop3A_243 = arith.constant 13 : i32
        %parallel_loop3A_244 = arith.index_cast %parallel_loop3A_243 : i32 to index
        %parallel_loop3A_245 = arith.index_cast %parallel_loop3A_131 : i32 to index
        %parallel_loop3A_246 = tpu.vector_load %arg8[%parallel_loop3A_244, %parallel_loop3A_245] {strides = array<i32>} : memref<16x4096xf32, #tpu.memory_space<vmem>>, vector<1x16xf32>,
        %parallel_loop3A_247 = vector.shape_cast %parallel_loop3A_246 : vector<1x16xf32> to vector<16xf32>
        %parallel_loop3A_248 = vector.shape_cast %parallel_loop3A_242 : vector<16xf32> to vector<1x16xf32>
        tpu.vector_store %arg8[%parallel_loop3A_244, %parallel_loop3A_245], %parallel_loop3A_248 {strides = array<i32>} : memref<16x4096xf32, #tpu.memory_space<vmem>>, vector<1x16xf32>,
        %parallel_loop3A_249 = arith.constant 14 : i32
        %parallel_loop3A_250 = arith.index_cast %parallel_loop3A_249 : i32 to index
        %parallel_loop3A_251 = arith.index_cast %parallel_loop3A_131 : i32 to index
        %parallel_loop3A_252 = tpu.vector_load %arg8[%parallel_loop3A_250, %parallel_loop3A_251] {strides = array<i32>} : memref<16x4096xf32, #tpu.memory_space<vmem>>, vector<1x16xf32>,
        %parallel_loop3A_253 = vector.shape_cast %parallel_loop3A_252 : vector<1x16xf32> to vector<16xf32>
        %parallel_loop3A_254 = vector.extract_strided_slice %get3A_112 {offsets = [6], sizes = [1], strides = [1]} : vector<16xf32> to vector<1xf32>
        %parallel_loop3A_255 = vector.extract %parallel_loop3A_254[0] : f32 from vector<1xf32>
        %parallel_loop3A_256 = vector.broadcast %parallel_loop3A_255 : f32 to vector<16xf32>
        %parallel_loop3A_257 = arith.mulf %parallel_loop3A_256, %parallel_loop3A_134 : vector<16xf32>
        %parallel_loop3A_258 = arith.addf %parallel_loop3A_253, %parallel_loop3A_257 : vector<16xf32>
        %parallel_loop3A_259 = arith.constant 0.000000e+00 : f32
        %parallel_loop3A_260 = vector.broadcast %parallel_loop3A_259 : f32 to vector<16xf32>
        %parallel_loop3A_261 = arith.maximumf %parallel_loop3A_258, %parallel_loop3A_260 : vector<16xf32>
        %parallel_loop3A_262 = arith.constant 14 : i32
        %parallel_loop3A_263 = arith.index_cast %parallel_loop3A_262 : i32 to index
        %parallel_loop3A_264 = arith.index_cast %parallel_loop3A_131 : i32 to index
        %parallel_loop3A_265 = tpu.vector_load %arg8[%parallel_loop3A_263, %parallel_loop3A_264] {strides = array<i32>} : memref<16x4096xf32, #tpu.memory_space<vmem>>, vector<1x16xf32>,
        %parallel_loop3A_266 = vector.shape_cast %parallel_loop3A_265 : vector<1x16xf32> to vector<16xf32>
        %parallel_loop3A_267 = vector.shape_cast %parallel_loop3A_261 : vector<16xf32> to vector<1x16xf32>
        tpu.vector_store %arg8[%parallel_loop3A_263, %parallel_loop3A_264], %parallel_loop3A_267 {strides = array<i32>} : memref<16x4096xf32, #tpu.memory_space<vmem>>, vector<1x16xf32>,
        %parallel_loop3A_268 = arith.constant 15 : i32
        %parallel_loop3A_269 = arith.index_cast %parallel_loop3A_268 : i32 to index
        %parallel_loop3A_270 = arith.index_cast %parallel_loop3A_131 : i32 to index
        %parallel_loop3A_271 = tpu.vector_load %arg8[%parallel_loop3A_269, %parallel_loop3A_270] {strides = array<i32>} : memref<16x4096xf32, #tpu.memory_space<vmem>>, vector<1x16xf32>,
        %parallel_loop3A_272 = vector.shape_cast %parallel_loop3A_271 : vector<1x16xf32> to vector<16xf32>
        %parallel_loop3A_273 = vector.extract_strided_slice %get3A_112 {offsets = [7], sizes = [1], strides = [1]} : vector<16xf32> to vector<1xf32>
        %parallel_loop3A_274 = vector.extract %parallel_loop3A_273[0] : f32 from vector<1xf32>
        %parallel_loop3A_275 = vector.broadcast %parallel_loop3A_274 : f32 to vector<16xf32>
        %parallel_loop3A_276 = arith.mulf %parallel_loop3A_275, %parallel_loop3A_134 : vector<16xf32>
        %parallel_loop3A_277 = arith.addf %parallel_loop3A_272, %parallel_loop3A_276 : vector<16xf32>
        %parallel_loop3A_278 = arith.constant 0.000000e+00 : f32
        %parallel_loop3A_279 = vector.broadcast %parallel_loop3A_278 : f32 to vector<16xf32>
        %parallel_loop3A_280 = arith.maximumf %parallel_loop3A_277, %parallel_loop3A_279 : vector<16xf32>
        %parallel_loop3A_281 = arith.constant 15 : i32
        %parallel_loop3A_282 = arith.index_cast %parallel_loop3A_281 : i32 to index
        %parallel_loop3A_283 = arith.index_cast %parallel_loop3A_131 : i32 to index
        %parallel_loop3A_284 = tpu.vector_load %arg8[%parallel_loop3A_282, %parallel_loop3A_283] {strides = array<i32>} : memref<16x4096xf32, #tpu.memory_space<vmem>>, vector<1x16xf32>,
        %parallel_loop3A_285 = vector.shape_cast %parallel_loop3A_284 : vector<1x16xf32> to vector<16xf32>
        %parallel_loop3A_286 = vector.shape_cast %parallel_loop3A_280 : vector<16xf32> to vector<1x16xf32>
        tpu.vector_store %arg8[%parallel_loop3A_282, %parallel_loop3A_283], %parallel_loop3A_286 {strides = array<i32>} : memref<16x4096xf32, #tpu.memory_space<vmem>>, vector<1x16xf32>,
      } {sc.loop_unroll_factor = 2 : i64, sc.parallel_access}
      %mul3A_116 = arith.constant 8 : i32
      %mul3A_117 = arith.muli %add3A_82, %mul3A_116 : i32
      %add3A_118 = arith.addi %mul3A_2, %mul3A_117 : i32
      %dma_start3A_119 = arith.constant 8 : i32
      %dma_start3A_120 = arith.constant 0 : i32
      %dma_start3A_121 = tpu.memref_slice %arg8[%dma_start3A_119, %dma_start3A_120] : memref<16x4096xf32, #tpu.memory_space<vmem>> -> memref<8x4096xf32, #tpu.memory_space<vmem>>
      %dma_start3A_122 = arith.constant 0 : i32
      %dma_start3A_123 = tpu.memref_slice %arg5[%add3A_118, %dma_start3A_122] : memref<4096x4096xf32, #tpu.memory_space<hbm>> -> memref<8x4096xf32, #tpu.memory_space<hbm>>
      %dma_start3A_124 = arith.constant 0 : i32
      %dma_start3A_125 = tpu.memref_slice %arg5[%add3A_118, %dma_start3A_124] : memref<4096x4096xf32, #tpu.memory_space<hbm>> -> memref<8x4096xf32, #tpu.memory_space<hbm>>
      %dma_start3A_126 = arith.constant 8 : i32
      %dma_start3A_127 = arith.constant 0 : i32
      %dma_start3A_128 = tpu.memref_slice %arg8[%dma_start3A_126, %dma_start3A_127] : memref<16x4096xf32, #tpu.memory_space<vmem>> -> memref<8x4096xf32, #tpu.memory_space<vmem>>
      tpu.enqueue_dma source(%dma_start3A_128 : memref<8x4096xf32, #tpu.memory_space<vmem>>) target(%dma_start3A_125 : memref<8x4096xf32, #tpu.memory_space<hbm>>) target_semaphore(%arg12 : memref<!tpu.dma_semaphore, #tpu.memory_space<semaphore_mem>>)
    }
    %scan3A_22 = arith.constant 8 : i32
    %add3A_23 = arith.constant 120 : i32
    %add3A_24 = arith.addi %mul3A_2, %add3A_23 : i32
    %dma_wait3A = arith.constant 8 : i32
    %dma_wait3A_25 = arith.constant 0 : i32
    %dma_wait3A_26 = tpu.memref_slice %arg8[%dma_wait3A, %dma_wait3A_25] : memref<16x4096xf32, #tpu.memory_space<vmem>> -> memref<8x4096xf32, #tpu.memory_space<vmem>>
    %dma_wait3A_27 = arith.constant 0 : i32
    %dma_wait3A_28 = tpu.memref_slice %arg5[%add3A_24, %dma_wait3A_27] : memref<4096x4096xf32, #tpu.memory_space<hbm>> -> memref<8x4096xf32, #tpu.memory_space<hbm>>
    %dma_wait3A_29 = arith.constant 0 : i32
    %dma_wait3A_30 = tpu.memref_slice %arg5[%add3A_24, %dma_wait3A_29] : memref<4096x4096xf32, #tpu.memory_space<hbm>> -> memref<8x4096xf32, #tpu.memory_space<hbm>>
    %dma_wait3A_31 = arith.constant 8 : i32
    %dma_wait3A_32 = arith.constant 0 : i32
    %dma_wait3A_33 = tpu.memref_slice %arg8[%dma_wait3A_31, %dma_wait3A_32] : memref<16x4096xf32, #tpu.memory_space<vmem>> -> memref<8x4096xf32, #tpu.memory_space<vmem>>
    tpu.wait_dma2 semaphore(%arg12 : memref<!tpu.dma_semaphore, #tpu.memory_space<semaphore_mem>>) src(%dma_wait3A_33 : memref<8x4096xf32, #tpu.memory_space<vmem>>) dst(%dma_wait3A_30 : memref<8x4096xf32, #tpu.memory_space<hbm>>)
    return
  }
}

</mosaic_0001>

<sc_bundles>
// kernel: kernel.3.cloned.1.call-start
scs
__scs_entry_jumppad:
0x0: {  	(pc) =	sbr.rel $0x88, $3  }
0x1: {  	(tag) =	ssettag $0x0;
	lr =	simm.s32 $0x1  }
0x2: {  	[smem:$0x3F9E] =	sst lr;
	_ =	strace $0xD0000000  }
0x3: {  	_ = 	snop  }
0x4: {  	_ = 	snop  }
0x5: {  	_ = 	snop  }
0x6: {  	_ = 	snop  }
0x7: {  	_ = 	snop  }
__scs_overlays_trampoline_lowered:
0x8: {  	[smem:$0x3FAD] =	sst s0  }
0x9: {  	[smem:$0x3FAE] =	sst s1  }
0xa: {  	[smem:$0x3FAF] =	sst s2  }
0xb: {  	[smem:$0x3FB0] =	sst s3  }
0xc: {  	[smem:$0x3FB1] =	sst s4  }
0xd: {  	[smem:$0x3FB2] =	sst s5  }
0xe: {  	[smem:$0x3FB3] =	sst s6  }
0xf: {  	[smem:$0x3FB4] =	sst s7  }
0x10: {  	[smem:$0x3FB5] =	sst s8  }
0x11: {  	[smem:$0x3FB6] =	sst s9;
	s0 =	simm.s32 @!p0 $0x0  }
0x12: {  	s1 =	sld [smem:$0x3F9C];
	s0 =	simm.s32 @p0 $0x1  }
0x13: {  	[smem:$0x3FB7] =	sst s0;
	s0 =	simm.s32 @!p1 $0x0  }
0x14: {  	s2 =	sld [smem:$0x3F9B];
	s0 =	simm.s32 @p1 $0x1  }
0x15: {  	[smem:$0x3FB8] =	sst s0;
	s0 =	simm.s32 @!p2 $0x0  }
0x16: {  	s3 =	sld [smem:$0x3FDB];
	s0 =	simm.s32 @p2 $0x1  }
0x17: {  	s4 =	simm.s32 $0x1BF5;
	[smem:$0x3FBA] =	sst s0  }
0x18: {  	s0 =	sld [smem:$0x3F9D];
	_ =	swait.ge [sflag:s4], $0x0  }
0x19: {  	s7 =	sld [smem:$0x3F9E]  }
0x1a: {  	s8 =	sadd.s32 $0xFFFFE003, lr  }
0x1b: {  	s9 =	sadd.s32 $0xFFFFFEF7, lr;
	s5 =	simm.s32 $0xFFFFFFFF;
	p2 =	slt.u32 s8, $0xFFFFF086  }
0x1c: {  	p1 =	slt.u32 s9, $0xF7A;
	s5 =	simm.s32 @!p2 $0x0  }
0x1d: {  	s5 =	simm.s32 @p1 $0x1;
	p0 =	seq.s32 s7, s2  }
0x1e: {  	s7 =	smul.u32 @!p0 $0xF7A, s2;
	p2 =	seq.s32 @!p0 s5, $0x0  }
0x1f: {  	s9 =	smul.u32 $0xF7A, s1;
	s8 =	simm.s32 @!p0 $0x1BF5;
	p2 =	por !p2, p0  }
0x20: {  	[sflag:s8] =	ssyncset.s32 @!p0 $0xFFFFF086;
	s6 =	sadd.s32 @!p0 s3, s7;
	s7 =	simm.s32 @!p0 $0x108  }
0x21: {  	s3 =	sadd.s32 s3, s9;
	s6 =	sadd.s32 @!p0 $0x88, s6;
	s7 =	simm.s32 @p2 $0x1082  }
0x22: {  	[simem:s7], [sflag:s8] =	dma.local @!p0 [hbm:s6], $0xF7A  }
0x23: {  	s9 =	sor.u32 $0xD0000000, s2;
	s6 =	simm.s32 $0x108;
	_ =	swait.ge @!p0 [sflag:s8], $0x0  }
0x24: {  	s3 =	sadd.s32 $0x88, s3;
	s6 =	simm.s32 @!p1 $0x1082;
	[sflag:s4] =	ssyncset.s32 $0xFFFFF086  }
0x25: {  	[simem:s6], [sflag:s4] =	dma.local [hbm:s3], $0xF7A  }
0x26: {  	[smem:$0x3F9E] =	sst s1;
	(tag) =	ssettag s2;
	_ =	strace s9  }
0x27: {  	s1 =	sld [smem:$0x3FAE]  }
0x28: {  	s2 =	sld [smem:$0x3FAF]  }
0x29: {  	s4 =	sld [smem:$0x3FB1]  }
0x2a: {  	p0 =	seq.s32 s5, $0x0;
	s5 =	sld [smem:$0x3FB2]  }
0x2b: {  	s6 =	sld [smem:$0x3FB3]  }
0x2c: {  	s7 =	sld [smem:$0x3FB4]  }
0x2d: {  	s3 =	simm.s32 $0x108;
	s8 =	sld [smem:$0x3FB5]  }
0x2e: {  	s3 =	simm.s32 @!p0 $0x1082;
	s9 =	sld [smem:$0x3FB6]  }
0x2f: {  	lr =	sadd.s32 s0, s3;
	s0 =	sld [smem:$0x3FAD]  }
0x30: {  	s3 =	sld [smem:$0x3FB0]  }
0x31: {  	[smem:$0x3FB9] =	sst s10  }
0x32: {  	s10 =	sld [smem:$0x3FB7];
	_ =	sdelay $0x3  }
0x33: {  	p0 =	seq.s32 s10, $0x1;
	s10 =	sld [smem:$0x3FB9];
	_ =	sdelay $0x3  }
0x34: {  	[smem:$0x3FB9] =	sst s10  }
0x35: {  	s10 =	sld [smem:$0x3FB8];
	_ =	sdelay $0x3  }
0x36: {  	p1 =	seq.s32 s10, $0x1;
	s10 =	sld [smem:$0x3FB9];
	_ =	sdelay $0x3  }
0x37: {  	[smem:$0x3FB9] =	sst s10  }
0x38: {  	s10 =	sld [smem:$0x3FBA]  }
0x39: {  	_ = 	snop;
	(pc) =	sbr.ind lr, $3  }
0x3a: {  	_ = 	snop  }
0x3b: {  	_ = 	snop  }
0x3c: {  	p2 =	seq.s32 s10, $0x1;
	s10 =	sld [smem:$0x3FB9]  }
0x3d: {  	_ =	shalt  }
0x3e: {  	_ =	shalt  }
0x3f: {  	_ =	shalt  }
0x40: {  	_ =	shalt  }
0x41: {  	_ =	shalt  }
0x42: {  	_ =	shalt  }
0x43: {  	_ =	shalt  }
0x44: {  	_ =	shalt  }
0x45: {  	_ =	shalt  }
0x46: {  	_ =	shalt  }
0x47: {  	_ =	shalt  }
0x48: {  	_ =	shalt  }
0x49: {  	_ =	shalt  }
0x4a: {  	_ =	shalt  }
0x4b: {  	_ =	shalt  }
0x4c: {  	_ =	shalt  }
0x4d: {  	_ =	shalt  }
0x4e: {  	_ =	shalt  }
0x4f: {  	_ =	shalt  }
0x50: {  	_ =	shalt  }
0x51: {  	_ =	shalt  }
0x52: {  	_ =	shalt  }
0x53: {  	_ =	shalt  }
0x54: {  	_ =	shalt  }
0x55: {  	_ =	shalt  }
0x56: {  	_ =	shalt  }
0x57: {  	_ =	shalt  }
0x58: {  	_ =	shalt  }
0x59: {  	_ =	shalt  }
0x5a: {  	_ =	shalt  }
0x5b: {  	_ =	shalt  }
0x5c: {  	_ =	shalt  }
0x5d: {  	_ =	shalt  }
0x5e: {  	_ =	shalt  }
0x5f: {  	_ =	shalt  }
0x60: {  	_ =	shalt  }
0x61: {  	_ =	shalt  }
0x62: {  	_ =	shalt  }
0x63: {  	_ =	shalt  }
0x64: {  	_ =	shalt  }
0x65: {  	_ =	shalt  }
0x66: {  	_ =	shalt  }
0x67: {  	_ =	shalt  }
0x68: {  	_ =	shalt  }
0x69: {  	_ =	shalt  }
0x6a: {  	_ =	shalt  }
0x6b: {  	_ =	shalt  }
0x6c: {  	_ =	shalt  }
0x6d: {  	_ =	shalt  }
0x6e: {  	_ =	shalt  }
0x6f: {  	_ =	shalt  }
0x70: {  	_ =	shalt  }
0x71: {  	_ =	shalt  }
0x72: {  	_ =	shalt  }
0x73: {  	_ =	shalt  }
0x74: {  	_ =	shalt  }
0x75: {  	_ =	shalt  }
0x76: {  	_ =	shalt  }
0x77: {  	_ =	shalt  }
0x78: {  	_ =	shalt  }
0x79: {  	_ =	shalt  }
0x7a: {  	_ =	shalt  }
0x7b: {  	_ =	shalt  }
0x7c: {  	_ =	shalt  }
0x7d: {  	_ =	shalt  }
0x7e: {  	_ =	shalt  }
0x7f: {  	_ =	shalt  }
0x80: {  	_ =	shalt  }
0x81: {  	_ =	shalt  }
0x82: {  	_ =	shalt  }
0x83: {  	_ =	shalt  }
0x84: {  	_ =	shalt  }
0x85: {  	_ =	shalt  }
0x86: {  	_ =	shalt  }
0x87: {  	_ =	shalt  }
.Lfunc_end0:
.L_simem_size_0:
called_computation_lowered:
.L_overlay_start_0:
0x88: {  	s2 =	sld [smem:$0x3FD9]  }
0x89: {  	s3 =	sld [smem:$0x3FFE];
	_ =	sdelay $0x1  }
0x8a: {  	s1 =	srdreg.scid  }
0x8b: {  	s0 =	sand.u32 $0x1, s1  }
0x8c: {  	s18 =	sshll.u32 s0, $0xA;
	s2 =	sadd.s32 s3, s2  }
0x8d: {  	s2 =	sadd.s32 s2, s18  }
0x8e: {  	[smem:$0x3FC5] =	sst s2  }
0x8f: {  	_ = 	snop  }
0x90: {  	s2 =	sld [smem:$0x3FC9]  }
0x91: {  	s19 =	sld [smem:$0x3FC8]  }
0x92: {  	s4 =	sld [smem:$0x3FC7]  }
0x93: {  	s5 =	sld [smem:$0x3FD0];
	(tm) =	ssettm $0x1  }
0x94: {  	s6 =	sld [smem:$0x3FFB];
	_ =	sdelay $0x3  }
0x95: {  	_ =	strace s6  }
0x96: {  	s6 =	sld [smem:$0x3FFC];
	_ =	sdelay $0x3  }
0x97: {  	_ =	strace s6  }
0x98: {  	s6 =	sld [smem:$0x3FFD];
	_ =	sdelay $0x3  }
0x99: {  	_ =	strace s6  }
0x9a: {  	_ =	strace $0x8FFFFFFF  }
0x9b: {  	s20 =	sld [smem:$0x3FDB];
	_ =	sdelay $0x1  }
0x9c: {  	s7 =	simm.s32 $_scs_section_size  }
0x9d: {  	s8 =	simm.s32 $_size__tile_overlayer_lowered;
	s9 =	simm.s32 $_tile_overlayer_lowered  }
0x9e: {  	s23 =	simm.s32 $0x1BFF;
	s22 =	sshll.u32 s9, $0x1;
	s6 =	sadd.s32 s7, s20  }
0x9f: {  	s10 =	simm.s32 $0x0;
	s21 =	sshll.u32 s8, $0x1;
	s8 =	sadd.s32 s22, s6  }
0xa0: {  	[timem:s10], [sflag:s23] =	dma.local [hbm:s8], s21  }
0xa1: {  	_ =	swait.ge [sflag:s23], s21  }
0xa2: {  	s7 =	ssub.s32 $0x0, s21;
	[sflag:s23] =	ssyncset.done $0x0  }
0xa3: {  	[sflag:s23] =	ssyncadd.s32 s7;
	_ =	sdelay $0x1  }
0xa4: {  	s24 =	simm.s32 $0x1B8B  }
0xa5: {  	_ =	swait.ge [sflag:s24], $0x1  }
0xa6: {  	[sflag:s24] =	ssyncset.done $0x0  }
0xa7: {  	s25 =	simm.s32 $0x1B8E;
	[sflag:s24] =	ssyncadd.s32 $0xFFFFFFFF  }
0xa8: {  	s26 =	simm.s32 $execute0_lowered;
	[smem:$0x3FD2] =	sst s25  }
0xa9: {  	s7 =	sshll.u32 s26, $0x1;
	_ =	strace $0x80000046;
	[dreg:$0x1] =	wrdreg $0xFFFFFFFF  }
0xaa: {  	s28 =	simm.s32 $_size_execute0_lowered;
	s6 =	sadd.s32 s6, s7;
	[dreg:$0x0] =	wrdreg $0x0  }
0xab: {  	s7 =	sshll.u32 s28, $0x1;
	[dreg:$0x2] =	wrdreg s6  }
0xac: {  	[dreg:$0x3] =	wrdreg s7  }
0xad: {  	[dreg:$0x4] =	wrdreg $0xC0  }
0xae: {  	_ =	task [dreg:s10], $0x5FFFF  }
0xaf: {  	[dreg:$0x1] =	wrdreg $0xFFFFFFFF  }
0xb0: {  	[dreg:$0x0] =	wrdreg $0x60  }
0xb1: {  	[dreg:$0x2] =	wrdreg s2  }
0xb2: {  	[dreg:$0x3] =	wrdreg s19  }
0xb3: {  	[dreg:$0x4] =	wrdreg s4  }
0xb4: {  	[dreg:$0x5] =	wrdreg s5  }
0xb5: {  	[dreg:$0x6] =	wrdreg $0x9  }
0xb6: {  	_ =	task.clear_ibuf [dreg:s10], $0x7FFFF;
	_ =	strace $0x90000046  }
0xb7: {  	s29 =	simm.s32 $0x9;
	_ =	strace $0x80000048  }
0xb8: {  	_ =	swait.ge [sflag:s29], $0x1  }
0xb9: {  	[sflag:s29] =	ssyncadd.s32 $0xFFFFFFFF  }
0xba: {  	_ =	strace $0x90000048  }
0xbb: {  	_ =	sfence  }
0xbc: {  	s30 =	sld [smem:$0x0];
	_ =	sdelay $0x2  }
0xbd: {  	s31 =	sshll.u32 s1, $0xD;
	s1 =	sshrl.u32 s1, $0x2  }
0xbe: {  	s3 =	sand.u32 $0x4000, s31;
	s1 =	sadd.s32 s1, s30  }
0xbf: {  	s0 =	sor.u32 s3, s0;
	s1 =	sshll.u32 s1, $0x11  }
0xc0: {  	s0 =	sor.u32 s1, s0  }
0xc1: {  	s0 =	sadd.s32 $0x8F2B, s0  }
0xc2: {  	[sflag:s0] =	ssyncadd.remote.s32 $0x1  }
0xc3: {  	_ =	sfence.sel $0xFFFF  }
0xc4: {  	[dreg:$0x0] =	wrdreg $0xFFFFFFFF;
	(pc) =	sbr.abs _section_cstart, $3  }
0xc5: {  	[dreg:$0x1] =	wrdreg $0xFFFFFFFF  }
0xc6: {  	_ =	task.clear_ibuf [dreg:s10], $0x2FFFF;
	_ =	strace $0x9FFFFFFF  }
0xc7: {  	(tm) =	ssettm $0x7FFFFFFF  }
tec
execute0_lowered:
.L_overlay_start_1:
0x0: {  	(tag) =	ssettag $0x1  }
0x1: {  	s18 =	rddreg [dreg:$0x0]  }
0x2: {  	s0 =	rddreg [dreg:$0x2];
	s1 =	srdreg.scid  }
0x3: {  	s19 =	rddreg [dreg:$0x3];
	s2 =	stileid.u32;
	s1 =	sand.u32 $0x1, s1  }
0x4: {  	s20 =	simm.s32 $0x0;
	s2 =	sshll.u32 s2, $0x8;
	s3 =	sshll.u32 s1, $0x7  }
0x5: {  	[smem:$0x7FF] =	sst s20;
	s1 =	ssub.s32 $0x2, s1;
	s21 =	sor.u32 s3, s2  }
0x6: {  	_ =	strace $0x80000047;
	s3 =	sshrl.u32 s21, $0x3;
	[dreg:$0x7] =	wrdreg s21  }
0x7: {  	s28 =	sshrl.u32 s1, $0x1;
	s0 =	sadd.s32 s0, s3;
	[dreg:$0x8] =	wrdreg s3  }
0x8: {  	s1 =	ssub.s32 s1, s28;
	s30 =	sor.u32 $0x2, s3;
	[dreg:$0x9] =	wrdreg s0  }
0x9: {  	s29 =	sshll.u32 s21, $0x9;
	s31 =	smax.u32 s1, $0x1;
	[dreg:$0xb] =	wrdreg s30  }
0xa: {  	s4 =	simm.s32 $0x9100;
	s0 =	sadd.s32 s18, s29;
	[dreg:$0xc] =	wrdreg s31  }
0xb: {  	s2 =	simm.s32 $0x0;
	s3 =	simm.s32 $0x5;
	[dreg:$0xa] =	wrdreg s0  }
.LBB2_1:
0xc: {  	[dreg:$0xd] =	wrdreg s2  }
0xd: {  	s0 =	rddreg [dreg:$0x1]  }
0xe: {  	[tilespmem:s20], [sflag:$0x5] =	stream.linear.gather [hbm4b:s0+s20], $0x1000, $0x38;
	[tilespmem:$0x11100] =	vst v63  }
0xf: {  	_ =	swait.ge [sflag:s3], $0x1000  }
0x10: {  	[sflag:s3] =	ssyncset.done $0x0  }
0x11: {  	s0 =	simm.s32 $0x40;
	[sflag:s3] =	ssyncadd.s32 $0xFFFFF000  }
0x12: {  	v1 =	vld [tilespmem:s0+$0xFFFFFFC0];
	_ =	sdelay $0x1  }
0x13: {  	v4 =	vld [tilespmem:s0+$0xFFFFFFD0]  }
0x14: {  	v6 =	vld [tilespmem:s0+$0xFFFFFFE0]  }
0x15: {  	v2 =	vld [tilespmem:s0+$0x0]  }
0x16: {  	v0 =	vld [tilespmem:s0+$0x10];
	v5 =	vmul.f32 $-1.000000160e-05, v1  }
0x17: {  	v3 =	vld [tilespmem:s0+$0x20]  }
0x18: {  	v1 =	vld [tilespmem:s0+$0x30];
	[tilespmem:s0+$0xFFFFFFC0] =	vst v5;
	v5 =	vmul.f32 $-1.000000160e-05, v4  }
0x19: {  	s1 =	simm.s32 $0x0;
	s2 =	simm.s32 $0xC0;
	v6 =	vmul.f32 $-1.000000160e-05, v6;
	v4 =	vld [tilespmem:s0+$0xFFFFFFF0]  }
.LBB2_2:
0x1a: {  	v7 =	vld [tilespmem:s2+$0xFFFFFFC0];
	[tilespmem:s0+$0xFFFFFFD0] =	vst v5;
	v2 =	vmul.f32 $-1.000000160e-05, v2  }
0x1b: {  	s1 =	sadd.s32 $0x8, s1;
	v5 =	vld [tilespmem:s2+$0xFFFFFFD0];
	[tilespmem:s0+$0xFFFFFFE0] =	vst v6;
	v0 =	vmul.f32 $-1.000000160e-05, v0  }
0x1c: {  	p0 =	slt.u32 s1, $0xF8;
	v6 =	vld [tilespmem:s2+$0xFFFFFFE0];
	[tilespmem:s0+$0x0] =	vst v2;
	v3 =	vmul.f32 $-1.000000160e-05, v3  }
.Ltmp0:
0x1d: {  	v2 =	vld [tilespmem:s2+$0x0];
	[tilespmem:s0+$0x10] =	vst v0;
	v1 =	vmul.f32 $-1.000000160e-05, v1;
	(pc) =	sbr.rel @p0 .LBB2_2-.Ltmp0, $4  }
0x1e: {  	v0 =	vld [tilespmem:s2+$0x10];
	v4 =	vmul.f32 $-1.000000160e-05, v4;
	[tilespmem:s0+$0x20] =	vst v3  }
0x1f: {  	v7 =	vmul.f32 $-1.000000160e-05, v7;
	v3 =	vld [tilespmem:s2+$0x20];
	[tilespmem:s0+$0x30] =	vst v1  }
0x20: {  	v5 =	vmul.f32 $-1.000000160e-05, v5;
	v1 =	vld [tilespmem:s2+$0x30];
	[tilespmem:s0+$0xFFFFFFF0] =	vst v4;
	s0 =	smov.u32 s2  }
0x21: {  	s2 =	sadd.s32 $0x80, s2;
	[tilespmem:s0+$0xFFFFFFC0] =	vst v7;
	v6 =	vmul.f32 $-1.000000160e-05, v6;
	v4 =	vld [tilespmem:s0+$0xFFFFFFF0]  }
0x22: {  	[tilespmem:s0+$0xFFFFFFD0] =	vst v5;
	v2 =	vmul.f32 $-1.000000160e-05, v2  }
0x23: {  	[tilespmem:s0+$0xFFFFFFE0] =	vst v6;
	v0 =	vmul.f32 $-1.000000160e-05, v0  }
0x24: {  	[tilespmem:s0+$0x0] =	vst v2;
	v61 =	vmul.f32 $-1.000000160e-05, v3  }
0x25: {  	[tilespmem:s0+$0x10] =	vst v0;
	v62 =	vmul.f32 $-1.000000160e-05, v1  }
0x26: {  	v63 =	vmul.f32 $-1.000000160e-05, v4;
	[tilespmem:s0+$0x20] =	vst v61  }
0x27: {  	[tilespmem:s0+$0x30] =	vst v62  }
0x28: {  	s2 =	simm.s32 $0x0;
	s29 =	rddreg [dreg:$0x9];
	s1 =	simm.s32 $0x1000;
	[tilespmem:s0+$0xFFFFFFF0] =	vst v63  }
0x29: {  	[tilespmem:s1], [sflag:$0x5] =	stream.linear.gather [hbm4b:s29+s2], $0x80, $0x38;
	[tilespmem:$0x11100] =	vst v63  }
0x2a: {  	_ =	swait.ge [sflag:s3], $0x80  }
0x2b: {  	s31 =	simm.s32 $0x1100;
	[sflag:s3] =	ssyncset.done $0x0  }
0x2c: {  	s22 =	simm.s32 $0x0;
	s30 =	rddreg [dreg:$0xa];
	[sflag:s3] =	ssyncadd.s32 $0xFFFFFF80  }
0x2d: {  	[tilespmem:s31], [sflag:$0x1] =	stream.linear.gather [hbm4b:s30+s2], $0x8000, $0x38;
	[tilespmem:$0x11100] =	vst v63  }
.LBB2_4:
0x2e: {  	p0 =	seq.s32 s22, $0x0  }
0x2f: {  	s0 =	simm.s32 @!p0 $0x4  }
0x30: {  	s24 =	sshll.u32 s22, $0x1;
	_ =	swait.ge @!p0 [sflag:s0], $0x8000  }
0x31: {  	s23 =	sor.u32 $0x1, s24;
	s1 =	rddreg [dreg:$0x8]  }
0x32: {  	s1 =	sadd.s32 s1, s23  }
0x33: {  	s5 =	simm.s32 $0x0;
	[sflag:s0] =	ssyncset.done @!p0 $0x0;
	s1 =	sshll.u32 s1, $0xC  }
0x34: {  	s25 =	simm.s32 $0x1;
	[sflag:s0] =	ssyncadd.s32 @!p0 $0xFFFF8000;
	s17 =	sadd.s32 s18, s1  }
0x35: {  	[tilespmem:s4], [sflag:$0x2] =	stream.linear.gather [hbm4b:s17+s5], $0x8000, $0x38;
	[tilespmem:$0x11100] =	vst v63  }
0x36: {  	_ =	swait.ge [sflag:s25], $0x8000  }
0x37: {  	[sflag:s25] =	ssyncset.done $0x0  }
0x38: {  	s26 =	sand.u32 $0x60, s5;
	s0 =	sshll.u32 s22, $0x4;
	[sflag:s25] =	ssyncadd.s32 $0xFFFF8000  }
0x39: {  	s3 =	sand.u32 $0xF80, s5;
	s2 =	sor.u32 $0x10, s26;
	v9 =	vld [tilespmem:s0+$0x1000]  }
0x3a: {  	s28 =	sand.u32 $0x7C00, s5;
	s3 =	sor.u32 s2, s3  }
0x3b: {  	s4 =	sadd.s32 $0x1100, s28;
	v10 =	vld [tilespmem:s3+$0x0]  }
0x3c: {  	s29 =	sor.u32 s2, s4  }
0x3d: {  	v0 =	vld [tilespmem:s29+$0x0]  }
0x3e: {  	v7 =	vld [tilespmem:s29+$0x80];
	v1 =	vbroadcast v9, $0x0  }
0x3f: {  	v8 =	vld [tilespmem:s29+$0x100];
	v2 =	vbroadcast v9, $0x1  }
0x40: {  	v11 =	vld [tilespmem:s29+$0x180];
	v5 =	vbroadcast v9, $0x2;
	v4 =	vmul.f32 v10, v1  }
0x41: {  	v13 =	vld [tilespmem:s29+$0x200];
	v6 =	vbroadcast v9, $0x3;
	v12 =	vmul.f32 v10, v2  }
0x42: {  	v16 =	vld [tilespmem:s29+$0x280];
	v3 =	vbroadcast v9, $0x4;
	v15 =	vmul.f32 v10, v5;
	v14 =	vadd.f32 v4, v0  }
0x43: {  	s30 =	sor.u32 s26, s4;
	v4 =	vbroadcast v9, $0x5;
	v7 =	vadd.f32 v7, v12;
	v12 =	vmul.f32 v10, v6  }
0x44: {  	v17 =	vld [tilespmem:s30+$0x0];
	v8 =	vadd.f32 v8, v15;
	v15 =	vmul.f32 v10, v3;
	v14 =	vmax.f32 v14, $0.0e+00  }
0x45: {  	v0 =	vld [tilespmem:s5+$0x0];
	v7 =	vmax.f32 v7, $0.0e+00;
	v11 =	vadd.f32 v11, v12;
	v12 =	vmul.f32 v10, v4;
	[tilespmem:s29+$0x0] =	vst v14  }
0x46: {  	s31 =	sand.u32 $0x3, s5;
	v18 =	vld [tilespmem:s30+$0x280];
	[tilespmem:s29+$0x80] =	vst v7;
	v7 =	vmax.f32 v8, $0.0e+00;
	v8 =	vadd.f32 v13, v15  }
0x47: {  	s1 =	sshll.u32 s31, $0x5;
	v14 =	vld [tilespmem:s30+$0x80];
	[tilespmem:s29+$0x100] =	vst v7;
	v7 =	vmax.f32 v11, $0.0e+00;
	v11 =	vadd.f32 v16, v12  }
0x48: {  	s8 =	sadd.s32 $0x0, s1;
	s4 =	simm.s32 $0x20;
	v13 =	vld [tilespmem:s30+$0x100];
	[tilespmem:s29+$0x180] =	vst v7;
	v7 =	vmax.f32 v8, $0.0e+00  }
0x49: {  	s12 =	simm.s32 $0x100;
	s6 =	sadd.s32 $0x10, s8;
	s11 =	sand.u32 $0x60, s4;
	v15 =	vld [tilespmem:s30+$0x180];
	[tilespmem:s29+$0x200] =	vst v7;
	v7 =	vmax.f32 v11, $0.0e+00  }
0x4a: {  	s7 =	sand.u32 $0xF80, s4;
	s9 =	sor.u32 $0x300, s6;
	s13 =	sor.u32 $0x10, s11;
	v16 =	vld [tilespmem:s30+$0x200];
	v11 =	vmul.f32 v0, v1;
	[tilespmem:s29+$0x280] =	vst v7  }
0x4b: {  	s7 =	sor.u32 s13, s7;
	s5 =	sand.u32 $0x7C00, s12;
	v7 =	vmul.f32 v0, v2;
	v19 =	vld [tilespmem:s9+$0x1100]  }
0x4c: {  	s10 =	sadd.s32 $0x1100, s5;
	v12 =	vld [tilespmem:s7+$0x0];
	v8 =	vbroadcast v9, $0x6;
	v11 =	vadd.f32 v11, v17;
	v17 =	vmul.f32 v0, v5  }
0x4d: {  	s5 =	sor.u32 s13, s10;
	v20 =	vmul.f32 v0, v6;
	v22 =	vmul.f32 v0, v3;
	v14 =	vadd.f32 v14, v7;
	v7 =	vld [tilespmem:s4+$0x0]  }
0x4e: {  	v21 =	vmul.f32 v10, v8;
	v11 =	vmax.f32 v11, $0.0e+00;
	v13 =	vadd.f32 v13, v17;
	v17 =	vld [tilespmem:s5+$0x0]  }
0x4f: {  	[tilespmem:s30+$0x0] =	vst v11;
	v11 =	vmax.f32 v14, $0.0e+00;
	v14 =	vadd.f32 v15, v20;
	v15 =	vld [tilespmem:s5+$0x80];
	v20 =	vmul.f32 v0, v4  }
0x50: {  	v16 =	vadd.f32 v16, v22;
	[tilespmem:s30+$0x80] =	vst v11;
	v11 =	vmax.f32 v13, $0.0e+00;
	v13 =	vld [tilespmem:s5+$0x100];
	v19 =	vadd.f32 v19, v21  }
0x51: {  	[tilespmem:s30+$0x100] =	vst v11;
	v11 =	vmax.f32 v14, $0.0e+00;
	v14 =	vmul.f32 v12, v1;
	v21 =	vld [tilespmem:s5+$0x180];
	v18 =	vadd.f32 v18, v20  }
0x52: {  	v16 =	vmax.f32 v16, $0.0e+00;
	v20 =	vld [tilespmem:s5+$0x200];
	[tilespmem:s30+$0x180] =	vst v11;
	v11 =	vmul.f32 v12, v2  }
0x53: {  	s16 =	sor.u32 s11, s10;
	v22 =	vld [tilespmem:s5+$0x280];
	[tilespmem:s30+$0x200] =	vst v16;
	v14 =	vadd.f32 v14, v17;
	v17 =	vmul.f32 v12, v5;
	v16 =	vmax.f32 v18, $0.0e+00  }
0x54: {  	v19 =	vmax.f32 v19, $0.0e+00;
	v11 =	vadd.f32 v15, v11;
	v15 =	vmul.f32 v12, v6;
	[tilespmem:s30+$0x280] =	vst v16;
	v16 =	vld [tilespmem:s16+$0x0]  }
0x55: {  	s14 =	sor.u32 $0x380, s6;
	[tilespmem:s9+$0x1100] =	vst v19;
	v19 =	vld [tilespmem:s16+$0x80];
	v14 =	vmax.f32 v14, $0.0e+00;
	v13 =	vadd.f32 v13, v17;
	v17 =	vmul.f32 v12, v3  }
0x56: {  	s17 =	simm.s32 $0x1;
	v18 =	vld [tilespmem:s14+$0x1100];
	[tilespmem:s5+$0x0] =	vst v14;
	v11 =	vmax.f32 v11, $0.0e+00;
	v14 =	vadd.f32 v21, v15;
	v15 =	vmul.f32 v12, v4  }
0x57: {  	s2 =	sand.u32 $0x3, s17;
	v9 =	vbroadcast v9, $0x7;
	v21 =	vld [tilespmem:s16+$0x100];
	[tilespmem:s5+$0x80] =	vst v11;
	v11 =	vmax.f32 v13, $0.0e+00;
	v13 =	vadd.f32 v20, v17  }
0x58: {  	s2 =	sshll.u32 s2, $0x5;
	v17 =	vld [tilespmem:s16+$0x180];
	[tilespmem:s5+$0x100] =	vst v11;
	v11 =	vmax.f32 v14, $0.0e+00;
	v14 =	vadd.f32 v22, v15  }
0x59: {  	s25 =	sor.u32 $0x300, s8;
	s26 =	sadd.s32 $0x100, s2;
	s2 =	simm.s32 $0x40;
	v10 =	vmul.f32 v10, v9;
	v20 =	vld [tilespmem:s16+$0x280];
	[tilespmem:s5+$0x180] =	vst v11;
	v11 =	vmax.f32 v13, $0.0e+00  }
0x5a: {  	s28 =	sand.u32 $0x60, s2;
	s3 =	simm.s32 $0x200;
	s29 =	sadd.s32 $0x10, s26;
	v15 =	vld [tilespmem:s16+$0x200];
	v13 =	vmul.f32 v7, v1;
	[tilespmem:s5+$0x200] =	vst v11;
	v11 =	vmax.f32 v14, $0.0e+00  }
0x5b: {  	s11 =	sand.u32 $0xF80, s2;
	s12 =	sor.u32 $0x300, s29;
	s30 =	sor.u32 $0x10, s28;
	v14 =	vmul.f32 v7, v2;
	v10 =	vadd.f32 v18, v10;
	v18 =	vld [tilespmem:s25+$0x1100];
	[tilespmem:s5+$0x280] =	vst v11  }
0x5c: {  	s13 =	sand.u32 $0x7C00, s3;
	s11 =	sor.u32 s30, s11;
	v11 =	vadd.f32 v13, v16;
	v13 =	vmul.f32 v7, v5;
	v16 =	vld [tilespmem:s12+$0x1100]  }
0x5d: {  	s15 =	sadd.s32 $0x1100, s13;
	v14 =	vadd.f32 v19, v14;
	v19 =	vmul.f32 v7, v6;
	v22 =	vmax.f32 v10, $0.0e+00;
	v10 =	vld [tilespmem:s11+$0x0]  }
0x5e: {  	s13 =	sor.u32 s30, s15;
	v23 =	vmax.f32 v11, $0.0e+00;
	v13 =	vadd.f32 v21, v13;
	v21 =	vmul.f32 v7, v3;
	[tilespmem:s14+$0x1100] =	vst v22;
	v11 =	vld [tilespmem:s2+$0x0]  }
0x5f: {  	v22 =	vmul.f32 v12, v8;
	[tilespmem:s16+$0x0] =	vst v23;
	v14 =	vmax.f32 v14, $0.0e+00;
	v17 =	vadd.f32 v17, v19;
	v19 =	vld [tilespmem:s13+$0x0]  }
0x60: {  	v23 =	vmul.f32 v7, v4;
	[tilespmem:s16+$0x80] =	vst v14;
	v13 =	vmax.f32 v13, $0.0e+00;
	v14 =	vadd.f32 v15, v21;
	v15 =	vld [tilespmem:s13+$0x80]  }
0x61: {  	v21 =	vmul.f32 v0, v8;
	[tilespmem:s16+$0x100] =	vst v13;
	v13 =	vmax.f32 v17, $0.0e+00;
	v17 =	vld [tilespmem:s13+$0x100];
	v16 =	vadd.f32 v16, v22  }
0x62: {  	v20 =	vadd.f32 v20, v23;
	[tilespmem:s16+$0x180] =	vst v13;
	v13 =	vmax.f32 v14, $0.0e+00;
	v14 =	vmul.f32 v10, v1;
	v22 =	vld [tilespmem:s13+$0x180]  }
0x63: {  	v18 =	vadd.f32 v18, v21;
	v21 =	vld [tilespmem:s13+$0x200];
	[tilespmem:s16+$0x200] =	vst v13;
	v13 =	vmul.f32 v10, v2;
	v16 =	vmax.f32 v16, $0.0e+00  }
0x64: {  	s14 =	sor.u32 $0x380, s29;
	v23 =	vld [tilespmem:s13+$0x280];
	v20 =	vmax.f32 v20, $0.0e+00;
	v14 =	vadd.f32 v14, v19;
	v19 =	vmul.f32 v10, v5;
	[tilespmem:s12+$0x1100] =	vst v16  }
0x65: {  	s11 =	sor.u32 s28, s15;
	[tilespmem:s16+$0x280] =	vst v20;
	v16 =	vmax.f32 v18, $0.0e+00;
	v13 =	vadd.f32 v15, v13;
	v15 =	vmul.f32 v10, v6;
	v20 =	vld [tilespmem:s14+$0x1100]  }
0x66: {  	v24 =	vld [tilespmem:s11+$0x0];
	v18 =	vmul.f32 v10, v3;
	[tilespmem:s25+$0x1100] =	vst v16;
	v16 =	vmax.f32 v14, $0.0e+00;
	v17 =	vadd.f32 v17, v19  }
0x67: {  	v14 =	vld [tilespmem:s11+$0x80];
	[tilespmem:s13+$0x0] =	vst v16;
	v16 =	vmax.f32 v13, $0.0e+00;
	v19 =	vadd.f32 v22, v15;
	v22 =	vmul.f32 v10, v4  }
0x68: {  	s1 =	simm.s32 $0x2;
	v12 =	vmul.f32 v12, v9;
	v13 =	vld [tilespmem:s11+$0x100];
	[tilespmem:s13+$0x80] =	vst v16;
	v16 =	vmax.f32 v17, $0.0e+00;
	v17 =	vadd.f32 v21, v18  }
0x69: {  	s31 =	sand.u32 $0x3, s1;
	s8 =	sor.u32 $0x380, s8;
	v15 =	vld [tilespmem:s11+$0x180];
	v21 =	vmul.f32 v11, v1;
	[tilespmem:s13+$0x100] =	vst v16;
	v19 =	vmax.f32 v19, $0.0e+00;
	v22 =	vadd.f32 v23, v22  }
0x6a: {  	s7 =	simm.s32 $0x60;
	s4 =	simm.s32 $0x4;
	s5 =	sshll.u32 s31, $0x5;
	v18 =	vmul.f32 v11, v2;
	v16 =	vld [tilespmem:s11+$0x200];
	[tilespmem:s13+$0x180] =	vst v19;
	v23 =	vmax.f32 v17, $0.0e+00;
	v12 =	vadd.f32 v20, v12  }
0x6b: {  	s9 =	sor.u32 $0x380, s26;
	s5 =	sadd.s32 $0x200, s5;
	s12 =	sor.u32 $0x300, s26;
	v19 =	vadd.f32 v21, v24;
	v17 =	vld [tilespmem:s11+$0x280];
	v20 =	vmul.f32 v11, v5;
	[tilespmem:s13+$0x200] =	vst v23;
	v21 =	vmax.f32 v22, $0.0e+00  }
.LBB2_5:
0x6c: {  	s15 =	sand.u32 $0x60, s7;
	v14 =	vadd.f32 v14, v18;
	v18 =	vmul.f32 v11, v6;
	[tilespmem:s13+$0x280] =	vst v21;
	s6 =	sadd.s32 $0x10, s5;
	s3 =	sadd.s32 $0x100, s3;
	v21 =	vld [tilespmem:s12+$0x1100];
	v12 =	vmax.f32 v12, $0.0e+00  }
0x6d: {  	s16 =	sand.u32 $0xF80, s7;
	s13 =	sor.u32 $0x10, s15;
	v19 =	vmax.f32 v19, $0.0e+00;
	v13 =	vadd.f32 v13, v20;
	v20 =	vmul.f32 v11, v3;
	s10 =	sor.u32 $0x300, s6;
	[tilespmem:s14+$0x1100] =	vst v12;
	v12 =	vld [tilespmem:s8+$0x1100]  }
0x6e: {  	s17 =	sor.u32 $0x300, s5;
	s14 =	sand.u32 $0x7C00, s3;
	s16 =	sor.u32 s13, s16;
	[tilespmem:s11+$0x0] =	vst v19;
	v14 =	vmax.f32 v14, $0.0e+00;
	v15 =	vadd.f32 v15, v18;
	v18 =	vmul.f32 v11, v4;
	v19 =	vld [tilespmem:s10+$0x1100]  }
0x6f: {  	s5 =	sor.u32 $0x380, s5;
	s2 =	sadd.s32 $0x20, s2;
	s14 =	sadd.s32 $0x1100, s14;
	v22 =	vld [tilespmem:s16+$0x0];
	[tilespmem:s11+$0x80] =	vst v14;
	v13 =	vmax.f32 v13, $0.0e+00;
	v14 =	vadd.f32 v16, v20;
	v16 =	vmul.f32 v7, v8  }
0x70: {  	s15 =	sor.u32 s15, s14;
	s13 =	sor.u32 s13, s14;
	v20 =	vld [tilespmem:s2+$0x0];
	[tilespmem:s11+$0x100] =	vst v13;
	v13 =	vmax.f32 v15, $0.0e+00;
	v15 =	vadd.f32 v17, v18;
	v17 =	vmul.f32 v0, v9;
	v0 =	vmovc v7  }
0x71: {  	v7 =	vmovc v11;
	v18 =	vld [tilespmem:s13+$0x0];
	[tilespmem:s11+$0x180] =	vst v13;
	v13 =	vmax.f32 v14, $0.0e+00;
	v14 =	vmul.f32 v10, v8;
	v16 =	vadd.f32 v21, v16  }
0x72: {  	s4 =	sadd.s32 $0x2, s4;
	v21 =	vld [tilespmem:s13+$0x80];
	[tilespmem:s11+$0x200] =	vst v13;
	v11 =	vmax.f32 v15, $0.0e+00;
	v12 =	vadd.f32 v12, v17  }
0x73: {  	p0 =	slt.u32 s4, $0xFE;
	v13 =	vld [tilespmem:s13+$0x100];
	[tilespmem:s11+$0x280] =	vst v11;
	v23 =	vadd.f32 v19, v14;
	v14 =	vmax.f32 v16, $0.0e+00;
	s11 =	smov.u32 s15  }
0x74: {  	v15 =	vmul.f32 v22, v1;
	v16 =	vld [tilespmem:s13+$0x180];
	[tilespmem:s12+$0x1100] =	vst v14;
	v12 =	vmax.f32 v12, $0.0e+00;
	s12 =	smov.u32 s17  }
0x75: {  	v14 =	vmul.f32 v22, v2;
	v17 =	vld [tilespmem:s13+$0x200];
	v19 =	vmax.f32 v23, $0.0e+00;
	[tilespmem:s8+$0x1100] =	vst v12;
	v11 =	vmov v20;
	s8 =	smov.u32 s9;
	s9 =	smov.u32 s5  }
0x76: {  	s14 =	sor.u32 $0x380, s6;
	v12 =	vadd.f32 v15, v18;
	v15 =	vmul.f32 v22, v5;
	v18 =	vld [tilespmem:s13+$0x280];
	[tilespmem:s10+$0x1100] =	vst v19  }
0x77: {  	v20 =	vmul.f32 v22, v6;
	v19 =	vadd.f32 v21, v14;
	v21 =	vld [tilespmem:s14+$0x1100]  }
0x78: {  	v24 =	vmul.f32 v22, v3;
	v23 =	vld [tilespmem:s11+$0x0];
	v12 =	vmax.f32 v12, $0.0e+00;
	v15 =	vadd.f32 v13, v15  }
.Ltmp1:
0x79: {  	v14 =	vld [tilespmem:s11+$0x80];
	[tilespmem:s13+$0x0] =	vst v12;
	v12 =	vmax.f32 v19, $0.0e+00;
	v16 =	vadd.f32 v16, v20;
	v19 =	vmul.f32 v22, v4;
	(pc) =	sbr.rel @p0 .LBB2_5-.Ltmp1, $4  }
0x7a: {  	s1 =	sadd.s32 $0x1, s1;
	v20 =	vmul.f32 v10, v9;
	v10 =	vmovc v22;
	v13 =	vld [tilespmem:s11+$0x100];
	[tilespmem:s13+$0x80] =	vst v12;
	v12 =	vmax.f32 v15, $0.0e+00;
	v17 =	vadd.f32 v17, v24  }
0x7b: {  	s5 =	sand.u32 $0x3, s1;
	v22 =	vmul.f32 v11, v1;
	v15 =	vld [tilespmem:s11+$0x180];
	[tilespmem:s13+$0x100] =	vst v12;
	v12 =	vmax.f32 v16, $0.0e+00;
	v24 =	vadd.f32 v18, v19  }
0x7c: {  	s5 =	sshll.u32 s5, $0x5;
	v18 =	vmul.f32 v11, v2;
	v16 =	vld [tilespmem:s11+$0x200];
	[tilespmem:s13+$0x180] =	vst v12;
	v25 =	vmax.f32 v17, $0.0e+00;
	v12 =	vadd.f32 v21, v20  }
0x7d: {  	s7 =	sadd.s32 $0x20, s7;
	s5 =	sadd.s32 s5, s3;
	v20 =	vmul.f32 v11, v5;
	v19 =	vadd.f32 v22, v23;
	v17 =	vld [tilespmem:s11+$0x280];
	[tilespmem:s13+$0x200] =	vst v25;
	v21 =	vmax.f32 v24, $0.0e+00  }
0x7e: {  	v1 =	vadd.f32 v14, v18;
	v2 =	vmul.f32 v11, v6  }
0x7f: {  	[tilespmem:s13+$0x280] =	vst v21;
	v3 =	vmul.f32 v11, v3;
	v5 =	vmax.f32 v19, $0.0e+00;
	v6 =	vadd.f32 v13, v20  }
0x80: {  	v4 =	vmul.f32 v11, v4;
	[tilespmem:s11+$0x0] =	vst v5;
	v1 =	vmax.f32 v1, $0.0e+00;
	v2 =	vadd.f32 v15, v2  }
0x81: {  	[tilespmem:s11+$0x80] =	vst v1;
	v1 =	vmax.f32 v6, $0.0e+00;
	v3 =	vadd.f32 v16, v3  }
0x82: {  	s1 =	sadd.s32 $0x10, s5;
	[tilespmem:s11+$0x100] =	vst v1;
	v1 =	vmax.f32 v2, $0.0e+00;
	v2 =	vadd.f32 v17, v4  }
0x83: {  	s2 =	sor.u32 $0x300, s1;
	[tilespmem:s11+$0x180] =	vst v1;
	v1 =	vmax.f32 v3, $0.0e+00  }
0x84: {  	v3 =	vld [tilespmem:s2+$0x1100];
	[tilespmem:s11+$0x200] =	vst v1;
	v1 =	vmax.f32 v2, $0.0e+00  }
0x85: {  	s3 =	sor.u32 $0x300, s5;
	v2 =	vld [tilespmem:s12+$0x1100];
	[tilespmem:s11+$0x280] =	vst v1  }
0x86: {  	v1 =	vld [tilespmem:s3+$0x1100]  }
0x87: {  	v4 =	vmul.f32 v10, v8  }
0x88: {  	v5 =	vmul.f32 v7, v8  }
0x89: {  	v3 =	vadd.f32 v3, v4;
	v4 =	vmul.f32 v11, v8  }
0x8a: {  	v2 =	vadd.f32 v2, v5  }
0x8b: {  	v3 =	vmax.f32 v3, $0.0e+00;
	v1 =	vadd.f32 v1, v4  }
0x8c: {  	s1 =	sor.u32 $0x380, s1;
	v4 =	vld [tilespmem:s8+$0x1100];
	v2 =	vmax.f32 v2, $0.0e+00;
	[tilespmem:s2+$0x1100] =	vst v3  }
0x8d: {  	[tilespmem:s12+$0x1100] =	vst v2;
	v2 =	vld [tilespmem:s1+$0x1100];
	v1 =	vmax.f32 v1, $0.0e+00  }
0x8e: {  	s13 =	sor.u32 $0x380, s5;
	v3 =	vld [tilespmem:s9+$0x1100];
	[tilespmem:s3+$0x1100] =	vst v1  }
0x8f: {  	v0 =	vmul.f32 v0, v9;
	v1 =	vld [tilespmem:s13+$0x1100]  }
0x90: {  	v5 =	vmul.f32 v10, v9  }
0x91: {  	v0 =	vadd.f32 v4, v0;
	v4 =	vmul.f32 v7, v9  }
0x92: {  	v6 =	vmax.f32 v12, $0.0e+00;
	v2 =	vadd.f32 v2, v5;
	v5 =	vmul.f32 v11, v9  }
0x93: {  	[tilespmem:s14+$0x1100] =	vst v6;
	v0 =	vmax.f32 v0, $0.0e+00;
	v3 =	vadd.f32 v3, v4  }
0x94: {  	[tilespmem:s8+$0x1100] =	vst v0;
	v0 =	vmax.f32 v2, $0.0e+00;
	v1 =	vadd.f32 v1, v5  }
0x95: {  	s0 =	sadd.s32 s21, s0;
	[tilespmem:s1+$0x1100] =	vst v0;
	v0 =	vmax.f32 v3, $0.0e+00  }
0x96: {  	s0 =	sshll.u32 s0, $0x9;
	[tilespmem:s9+$0x1100] =	vst v0;
	v0 =	vmax.f32 v1, $0.0e+00  }
0x97: {  	s15 =	simm.s32 $0x1100;
	s0 =	sadd.s32 s19, s0;
	[tilespmem:s13+$0x1100] =	vst v0  }
0x98: {  	[hbm4b:s0+s20] =	stream.linear.scatter [tilespmem:s15], [sflag:$0x3], $0x8000, $0x38;
	[tilespmem:$0x11100] =	vst v63  }
0x99: {  	s16 =	simm.s32 $0x3;
	[dreg:$0xe] =	wrdreg s22  }
0x9a: {  	_ =	swait.ge [sflag:s16], $0x8000  }
0x9b: {  	p0 =	seq.s32 s22, $0x7;
	s0 =	rddreg [dreg:$0xb]  }
0x9c: {  	s0 =	sadd.s32 @!p0 s24, s0  }
0x9d: {  	s17 =	simm.s32 $0x2;
	s0 =	sshll.u32 @!p0 s0, $0xC  }
0x9e: {  	s2 =	simm.s32 @!p0 $0x1100;
	[sflag:s16] =	ssyncset.done $0x0;
	s0 =	sand.u32 @!p0 $0x1FFFE000, s0  }
0x9f: {  	s1 =	simm.s32 @!p0 $0x0;
	[sflag:s16] =	ssyncadd.s32 $0xFFFF8000;
	s0 =	sadd.s32 @!p0 s18, s0  }
0xa0: {  	[tilespmem:s2], [sflag:$0x1] =	stream.linear.gather @!p0 [hbm4b:s0+s1], $0x8000, $0x38;
	[tilespmem:$0x11100] =	vst v63  }
0xa1: {  	_ =	swait.ge [sflag:s17], $0x8000  }
0xa2: {  	s18 =	simm.s32 $0x0;
	[sflag:s17] =	ssyncset.done $0x0  }
0xa3: {  	s19 =	sshll.u32 s23, $0x3;
	s25 =	sand.u32 $0x60, s18;
	[sflag:s17] =	ssyncadd.s32 $0xFFFF8000  }
0xa4: {  	s20 =	sand.u32 $0xF80, s18;
	s26 =	sor.u32 $0x10, s25;
	v8 =	vld [tilespmem:s19+$0x1000]  }
0xa5: {  	s3 =	sand.u32 $0x7C00, s18;
	[dreg:$0xf] =	wrdreg s19;
	s1 =	sor.u32 s26, s20  }
0xa6: {  	s21 =	sadd.s32 $0x9100, s3;
	v1 =	vld [tilespmem:s1+$0x0]  }
0xa7: {  	s22 =	sor.u32 s26, s21  }
0xa8: {  	v2 =	vld [tilespmem:s22+$0x0]  }
0xa9: {  	v9 =	vbroadcast v8, $0x0  }
0xaa: {  	v0 =	vld [tilespmem:s18+$0x0]  }
0xab: {  	s23 =	sor.u32 s25, s21;
	v3 =	vmul.f32 v1, v9  }
0xac: {  	v4 =	vld [tilespmem:s23+$0x0]  }
0xad: {  	v2 =	vadd.f32 v3, v2;
	_ =	sdelay $0x1  }
0xae: {  	s24 =	sadd.s32 $0x9180, s3;
	v3 =	vmul.f32 v0, v9;
	v2 =	vmax.f32 v2, $0.0e+00  }
0xaf: {  	s28 =	sor.u32 s26, s24;
	[tilespmem:s22+$0x0] =	vst v2  }
0xb0: {  	v2 =	vadd.f32 v3, v4;
	v3 =	vld [tilespmem:s28+$0x0]  }
0xb1: {  	v10 =	vbroadcast v8, $0x1  }
0xb2: {  	s4 =	simm.s32 $0x20;
	v2 =	vmax.f32 v2, $0.0e+00  }
0xb3: {  	s2 =	sor.u32 s25, s24;
	[tilespmem:s23+$0x0] =	vst v2;
	v2 =	vmul.f32 v1, v10;
	s23 =	sand.u32 $0x60, s4  }
0xb4: {  	s6 =	simm.s32 $0x100;
	s31 =	sand.u32 $0xF80, s4;
	v4 =	vld [tilespmem:s2+$0x0];
	s11 =	sor.u32 $0x10, s23  }
0xb5: {  	s29 =	sand.u32 $0x7C00, s6;
	s0 =	sor.u32 s11, s31;
	v5 =	vadd.f32 v3, v2  }
0xb6: {  	s5 =	sadd.s32 $0x9100, s29;
	v3 =	vld [tilespmem:s0+$0x0]  }
0xb7: {  	s8 =	sadd.s32 $0x9200, s3;
	v6 =	vmul.f32 v0, v10;
	s7 =	sor.u32 s11, s5;
	v5 =	vmax.f32 v5, $0.0e+00  }
0xb8: {  	s9 =	sor.u32 s26, s8;
	[tilespmem:s28+$0x0] =	vst v5;
	v5 =	vld [tilespmem:s7+$0x0]  }
0xb9: {  	v4 =	vadd.f32 v4, v6;
	v6 =	vld [tilespmem:s9+$0x0]  }
0xba: {  	v11 =	vbroadcast v8, $0x2;
	v2 =	vld [tilespmem:s4+$0x0]  }
0xbb: {  	s5 =	sor.u32 s23, s5;
	v4 =	vmax.f32 v4, $0.0e+00;
	v7 =	vmul.f32 v3, v9  }
0xbc: {  	v12 =	vmul.f32 v1, v11;
	s4 =	sor.u32 s25, s8;
	[tilespmem:s2+$0x0] =	vst v4;
	v4 =	vld [tilespmem:s5+$0x0]  }
0xbd: {  	v13 =	vld [tilespmem:s4+$0x0];
	v5 =	vadd.f32 v7, v5  }
0xbe: {  	v6 =	vadd.f32 v6, v12  }
0xbf: {  	s10 =	sadd.s32 $0x9180, s29;
	v7 =	vmul.f32 v2, v9;
	v5 =	vmax.f32 v5, $0.0e+00  }
0xc0: {  	s12 =	sadd.s32 $0x9280, s3;
	s6 =	sor.u32 s11, s10;
	v12 =	vmul.f32 v0, v11;
	[tilespmem:s7+$0x0] =	vst v5;
	v5 =	vmax.f32 v6, $0.0e+00  }
0xc1: {  	s13 =	sor.u32 s26, s12;
	v4 =	vadd.f32 v7, v4;
	v6 =	vld [tilespmem:s6+$0x0];
	[tilespmem:s9+$0x0] =	vst v5  }
0xc2: {  	v5 =	vadd.f32 v13, v12;
	v7 =	vld [tilespmem:s13+$0x0]  }
0xc3: {  	s7 =	simm.s32 $0x40;
	v12 =	vbroadcast v8, $0x3;
	v4 =	vmax.f32 v4, $0.0e+00  }
0xc4: {  	s16 =	simm.s32 $0x200;
	s2 =	sor.u32 s23, s10;
	s21 =	sand.u32 $0x60, s7;
	[tilespmem:s5+$0x0] =	vst v4;
	v4 =	vmax.f32 v5, $0.0e+00;
	v5 =	vmul.f32 v3, v10  }
0xc5: {  	s14 =	sor.u32 s25, s12;
	s15 =	sand.u32 $0xF80, s7;
	s0 =	sor.u32 $0x10, s21;
	v13 =	vld [tilespmem:s2+$0x0];
	[tilespmem:s4+$0x0] =	vst v4;
	v4 =	vmul.f32 v1, v12  }
0xc6: {  	s30 =	sand.u32 $0x7C00, s16;
	s4 =	sor.u32 s0, s15;
	v14 =	vld [tilespmem:s14+$0x0];
	v6 =	vadd.f32 v6, v5  }
0xc7: {  	s8 =	sadd.s32 $0x9100, s30;
	v5 =	vld [tilespmem:s4+$0x0];
	v7 =	vadd.f32 v7, v4  }
0xc8: {  	s18 =	sadd.s32 $0x9200, s29;
	v15 =	vmul.f32 v2, v10;
	s17 =	sor.u32 s0, s8;
	v6 =	vmax.f32 v6, $0.0e+00  }
0xc9: {  	s19 =	sor.u32 s11, s18;
	v16 =	vmul.f32 v0, v12;
	[tilespmem:s6+$0x0] =	vst v6;
	v6 =	vmax.f32 v7, $0.0e+00;
	v7 =	vld [tilespmem:s17+$0x0]  }
0xca: {  	s20 =	sadd.s32 $0x9300, s3;
	v13 =	vadd.f32 v13, v15;
	[tilespmem:s13+$0x0] =	vst v6;
	v6 =	vld [tilespmem:s19+$0x0]  }
0xcb: {  	s22 =	sor.u32 s26, s20;
	v4 =	vld [tilespmem:s7+$0x0];
	v14 =	vadd.f32 v14, v16  }
0xcc: {  	s8 =	sor.u32 s21, s8;
	v15 =	vmax.f32 v13, $0.0e+00;
	v16 =	vld [tilespmem:s22+$0x0];
	v17 =	vmul.f32 v5, v9  }
0xcd: {  	v18 =	vmul.f32 v3, v11;
	s7 =	sor.u32 s23, s18;
	v13 =	vbroadcast v8, $0x4;
	[tilespmem:s2+$0x0] =	vst v15;
	v14 =	vmax.f32 v14, $0.0e+00;
	v15 =	vld [tilespmem:s8+$0x0]  }
0xce: {  	s9 =	sor.u32 s25, s20;
	[tilespmem:s14+$0x0] =	vst v14;
	v14 =	vld [tilespmem:s7+$0x0];
	v7 =	vadd.f32 v17, v7  }
0xcf: {  	v17 =	vmul.f32 v1, v13;
	v19 =	vld [tilespmem:s9+$0x0];
	v6 =	vadd.f32 v6, v18  }
0xd0: {  	s24 =	sadd.s32 $0x9180, s30;
	v18 =	vmul.f32 v4, v9;
	v7 =	vmax.f32 v7, $0.0e+00  }
0xd1: {  	s28 =	sadd.s32 $0x9280, s29;
	s4 =	sor.u32 s0, s24;
	v16 =	vadd.f32 v16, v17;
	v17 =	vmul.f32 v2, v11;
	[tilespmem:s17+$0x0] =	vst v7;
	v6 =	vmax.f32 v6, $0.0e+00  }
0xd2: {  	s31 =	sor.u32 s11, s28;
	v7 =	vadd.f32 v18, v15;
	v15 =	vmul.f32 v0, v13;
	v18 =	vld [tilespmem:s4+$0x0];
	[tilespmem:s19+$0x0] =	vst v6  }
0xd3: {  	s10 =	sadd.s32 $0x9380, s3;
	v6 =	vmax.f32 v16, $0.0e+00;
	v14 =	vadd.f32 v14, v17;
	v16 =	vld [tilespmem:s31+$0x0]  }
0xd4: {  	s1 =	sor.u32 s26, s10;
	[tilespmem:s22+$0x0] =	vst v6;
	v6 =	vmax.f32 v7, $0.0e+00;
	v7 =	vadd.f32 v19, v15  }
0xd5: {  	s16 =	sor.u32 s21, s24;
	s19 =	simm.s32 $0x60;
	v17 =	vld [tilespmem:s1+$0x0];
	[tilespmem:s8+$0x0] =	vst v6;
	v6 =	vmax.f32 v14, $0.0e+00;
	v14 =	vmul.f32 v5, v10  }
0xd6: {  	s12 =	simm.s32 $0x300;
	s17 =	sor.u32 s23, s28;
	v15 =	vbroadcast v8, $0x5;
	s15 =	sand.u32 $0x60, s19;
	v19 =	vld [tilespmem:s16+$0x0];
	[tilespmem:s7+$0x0] =	vst v6;
	v6 =	vmax.f32 v7, $0.0e+00;
	v7 =	vmul.f32 v3, v12  }
0xd7: {  	s18 =	sor.u32 s25, s10;
	s14 =	sand.u32 $0xF80, s19;
	s10 =	sor.u32 $0x10, s15;
	v20 =	vld [tilespmem:s17+$0x0];
	[tilespmem:s9+$0x0] =	vst v6;
	v14 =	vadd.f32 v18, v14  }
0xd8: {  	s22 =	sand.u32 $0x7C00, s12;
	s5 =	sor.u32 s10, s14;
	v18 =	vmul.f32 v1, v15;
	v21 =	vld [tilespmem:s18+$0x0];
	v16 =	vadd.f32 v16, v7  }
0xd9: {  	s20 =	sadd.s32 $0x9100, s22;
	v7 =	vld [tilespmem:s5+$0x0];
	v14 =	vmax.f32 v14, $0.0e+00  }
0xda: {  	s24 =	sadd.s32 $0x9200, s30;
	v22 =	vmul.f32 v4, v10;
	v6 =	vld [tilespmem:s19+$0x0];
	s5 =	sor.u32 s10, s20;
	v17 =	vadd.f32 v17, v18;
	[tilespmem:s4+$0x0] =	vst v14;
	v16 =	vmax.f32 v16, $0.0e+00  }
0xdb: {  	s28 =	sadd.s32 $0x9300, s29;
	s13 =	smov.u32 s10;
	s10 =	sor.u32 s0, s24;
	v18 =	vld [tilespmem:s5+$0x0];
	v14 =	vmul.f32 v2, v12;
	[tilespmem:s31+$0x0] =	vst v16  }
0xdc: {  	s14 =	sor.u32 s11, s28;
	v19 =	vadd.f32 v19, v22;
	v16 =	vmul.f32 v0, v15;
	v17 =	vmax.f32 v17, $0.0e+00;
	v23 =	vld [tilespmem:s10+$0x0];
	[dreg:$0x5] =	wrdreg s11  }
0xdd: {  	v26 =	vmul.f32 v3, v13;
	s2 =	smov.u32 s15;
	s15 =	sor.u32 s15, s20;
	s31 =	sadd.s32 $0x9400, s3;
	v20 =	vadd.f32 v20, v14;
	[tilespmem:s1+$0x0] =	vst v17;
	v17 =	vld [tilespmem:s14+$0x0]  }
0xde: {  	s11 =	sor.u32 s26, s31;
	v19 =	vmax.f32 v19, $0.0e+00;
	v21 =	vadd.f32 v21, v16;
	v24 =	vmul.f32 v7, v9;
	v22 =	vld [tilespmem:s15+$0x0]  }
0xdf: {  	v14 =	vbroadcast v8, $0x6;
	v8 =	vbroadcast v8, $0x7;
	s1 =	sor.u32 s21, s24;
	[tilespmem:s16+$0x0] =	vst v19;
	v16 =	vld [tilespmem:s11+$0x0];
	v19 =	vmax.f32 v20, $0.0e+00  }
0xe0: {  	s20 =	sor.u32 s23, s28;
	v20 =	vmul.f32 v5, v11;
	[tilespmem:s17+$0x0] =	vst v19;
	v19 =	vmax.f32 v21, $0.0e+00;
	v25 =	vadd.f32 v24, v18;
	v21 =	vld [tilespmem:s1+$0x0]  }
0xe1: {  	s9 =	sor.u32 s25, s31;
	v18 =	vmul.f32 v1, v14;
	v24 =	vmul.f32 v6, v9;
	[tilespmem:s18+$0x0] =	vst v19;
	v19 =	vld [tilespmem:s20+$0x0]  }
0xe2: {  	s7 =	simm.s32 $0x80;
	s4 =	simm.s32 $0x6;
	s17 =	sadd.s32 $0x9180, s22;
	v23 =	vadd.f32 v23, v20;
	v25 =	vmax.f32 v25, $0.0e+00;
	v20 =	vadd.f32 v17, v26;
	v17 =	vld [tilespmem:s9+$0x0]  }
.LBB2_7:
0xe3: {  	[dreg:$0x6] =	wrdreg s22  }
0xe4: {  	s6 =	sor.u32 s2, s17;
	s22 =	sor.u32 s13, s17;
	s8 =	sadd.s32 $0x9280, s30  }
0xe5: {  	v26 =	vld [tilespmem:s7+$0x0];
	[tilespmem:s5+$0x0] =	vst v25;
	v25 =	vmul.f32 v4, v11;
	s16 =	sadd.s32 $0x9380, s29;
	s28 =	rddreg [dreg:$0x5];
	s24 =	smov.u32 s23;
	v23 =	vmax.f32 v23, $0.0e+00;
	v16 =	vadd.f32 v16, v18  }
0xe6: {  	s3 =	sadd.s32 $0x9480, s3;
	s19 =	sadd.s32 $0x20, s19;
	s31 =	sor.u32 s0, s8;
	v20 =	vmax.f32 v20, $0.0e+00;
	v18 =	vadd.f32 v24, v22;
	v22 =	vld [tilespmem:s22+$0x0];
	[tilespmem:s10+$0x0] =	vst v23;
	v23 =	vmul.f32 v2, v13  }
0xe7: {  	s12 =	sadd.s32 $0x100, s12;
	s18 =	sor.u32 s23, s16;
	s23 =	sor.u32 s28, s16;
	v21 =	vadd.f32 v21, v25;
	v24 =	vld [tilespmem:s31+$0x0];
	[tilespmem:s14+$0x0] =	vst v20;
	v20 =	vmul.f32 v0, v14;
	v16 =	vmax.f32 v16, $0.0e+00  }
0xe8: {  	s17 =	sor.u32 s21, s8;
	s16 =	sor.u32 s25, s3;
	s3 =	sor.u32 s26, s3;
	v18 =	vmax.f32 v18, $0.0e+00;
	v19 =	vadd.f32 v19, v23;
	v23 =	vld [tilespmem:s23+$0x0];
	[tilespmem:s11+$0x0] =	vst v16  }
0xe9: {  	s25 =	smov.u32 s24;
	s8 =	smov.u32 s21;
	s21 =	smov.u32 s2;
	[tilespmem:s15+$0x0] =	vst v18;
	v16 =	vmul.f32 v7, v10;
	v18 =	vmax.f32 v21, $0.0e+00;
	v17 =	vadd.f32 v17, v20;
	v20 =	vld [tilespmem:s3+$0x0]  }
0xea: {  	s26 =	smov.u32 s28;
	s24 =	sand.u32 $0x7C00, s12;
	s10 =	sand.u32 $0x60, s19;
	v21 =	vld [tilespmem:s6+$0x0];
	[tilespmem:s1+$0x0] =	vst v18;
	v18 =	vmul.f32 v5, v12;
	v19 =	vmax.f32 v19, $0.0e+00  }
0xeb: {  	s28 =	sand.u32 $0xF80, s19;
	s14 =	sadd.s32 $0x9100, s24;
	s1 =	sor.u32 $0x10, s10;
	v16 =	vadd.f32 v22, v16;
	v22 =	vld [tilespmem:s17+$0x0];
	[tilespmem:s20+$0x0] =	vst v19;
	v19 =	vmul.f32 v3, v15;
	v17 =	vmax.f32 v17, $0.0e+00  }
0xec: {  	v25 =	vmul.f32 v6, v10;
	s11 =	smov.u32 s0;
	s0 =	rddreg [dreg:$0x6];
	s2 =	sor.u32 s1, s28;
	v18 =	vadd.f32 v24, v18;
	v24 =	vld [tilespmem:s18+$0x0];
	[tilespmem:s9+$0x0] =	vst v17;
	v17 =	vmul.f32 v1, v8  }
0xed: {  	s28 =	smov.u32 s13;
	s15 =	smov.u32 s1;
	s20 =	sadd.s32 $0x9200, s0;
	v1 =	vmovc v3;
	v3 =	vmovc v5;
	v5 =	vmov v7;
	v7 =	vld [tilespmem:s2+$0x0];
	v16 =	vmax.f32 v16, $0.0e+00;
	v19 =	vadd.f32 v23, v19  }
0xee: {  	s13 =	smov.u32 s15;
	s5 =	sor.u32 s15, s14;
	s2 =	smov.u32 s10;
	v23 =	vld [tilespmem:s16+$0x0];
	[tilespmem:s22+$0x0] =	vst v16;
	v16 =	vmul.f32 v4, v12;
	v18 =	vmax.f32 v18, $0.0e+00;
	v17 =	vadd.f32 v20, v17  }
0xef: {  	s15 =	sor.u32 s10, s14;
	s10 =	sor.u32 s28, s20;
	s22 =	sadd.s32 $0x9300, s30;
	v20 =	vld [tilespmem:s5+$0x0];
	v21 =	vadd.f32 v21, v25;
	[tilespmem:s31+$0x0] =	vst v18;
	v18 =	vmul.f32 v2, v15;
	v19 =	vmax.f32 v19, $0.0e+00  }
0xf0: {  	s4 =	sadd.s32 $0x2, s4;
	s14 =	sor.u32 s11, s22;
	s31 =	sadd.s32 $0x9400, s29;
	v25 =	vld [tilespmem:s10+$0x0];
	v16 =	vadd.f32 v22, v16;
	[tilespmem:s23+$0x0] =	vst v19;
	v17 =	vmax.f32 v17, $0.0e+00  }
0xf1: {  	p0 =	slt.u32 s4, $0xFE;
	[dreg:$0x5] =	wrdreg s11;
	s11 =	sor.u32 s26, s31;
	v19 =	vmax.f32 v21, $0.0e+00;
	v27 =	vld [tilespmem:s14+$0x0];
	v18 =	vadd.f32 v24, v18;
	v21 =	vmul.f32 v0, v8;
	[tilespmem:s3+$0x0] =	vst v17  }
.Ltmp2:
0xf2: {  	v0 =	vmovc v2;
	v2 =	vmovc v4;
	v4 =	vmov v6;
	v17 =	vmul.f32 v7, v9;
	[tilespmem:s6+$0x0] =	vst v19;
	v19 =	vmax.f32 v16, $0.0e+00;
	v16 =	vld [tilespmem:s11+$0x0];
	(pc) =	sbr.rel @p0 .LBB2_7-.Ltmp2, $4  }
0xf3: {  	s7 =	sadd.s32 $0x20, s7;
	s1 =	sor.u32 s21, s20;
	v6 =	vmovc v26;
	v24 =	vmul.f32 v5, v11;
	v22 =	vld [tilespmem:s15+$0x0];
	[tilespmem:s17+$0x0] =	vst v19;
	v18 =	vmax.f32 v18, $0.0e+00;
	v26 =	vadd.f32 v23, v21  }
0xf4: {  	s20 =	sor.u32 s8, s22;
	s22 =	smov.u32 s24;
	s23 =	smov.u32 s8;
	v17 =	vadd.f32 v17, v20;
	v21 =	vld [tilespmem:s1+$0x0];
	v20 =	vmul.f32 v3, v13;
	[tilespmem:s18+$0x0] =	vst v18  }
0xf5: {  	s9 =	sor.u32 s25, s31;
	s3 =	smov.u32 s29;
	s29 =	smov.u32 s30;
	v18 =	vmul.f32 v1, v14;
	v23 =	vadd.f32 v25, v24;
	v19 =	vld [tilespmem:s20+$0x0];
	v26 =	vmax.f32 v26, $0.0e+00  }
0xf6: {  	s30 =	smov.u32 s0;
	s0 =	smov.u32 s28;
	s17 =	sadd.s32 $0x9180, s22;
	v24 =	vmul.f32 v6, v9;
	v25 =	vmax.f32 v17, $0.0e+00;
	v20 =	vadd.f32 v27, v20;
	v17 =	vld [tilespmem:s9+$0x0];
	[tilespmem:s16+$0x0] =	vst v26  }
0xf7: {  	_ = 	snop  }
0xf8: {  	v9 =	vadd.f32 v24, v22;
	_ =	sdelay $0x1  }
0xf9: {  	[tilespmem:s5+$0x0] =	vst v25;
	s4 =	sor.u32 s13, s17;
	v9 =	vmax.f32 v9, $0.0e+00  }
0xfa: {  	s24 =	sor.u32 s2, s17;
	v51 =	vld [tilespmem:s4+$0x0];
	[tilespmem:s15+$0x0] =	vst v9  }
0xfb: {  	v9 =	vld [tilespmem:s24+$0x0];
	_ =	sdelay $0x1  }
0xfc: {  	v52 =	vmul.f32 v7, v10  }
0xfd: {  	v53 =	vmul.f32 v6, v10  }
0xfe: {  	v22 =	vadd.f32 v51, v52  }
0xff: {  	v9 =	vadd.f32 v9, v53  }
0x100: {  	s6 =	sadd.s32 $0x9200, s22;
	v54 =	vmax.f32 v22, $0.0e+00  }
0x101: {  	v55 =	vmul.f32 v4, v11;
	s28 =	sor.u32 s13, s6;
	[tilespmem:s4+$0x0] =	vst v54;
	v9 =	vmax.f32 v9, $0.0e+00  }
0x102: {  	s6 =	sor.u32 s2, s6;
	v10 =	vld [tilespmem:s28+$0x0];
	[tilespmem:s24+$0x0] =	vst v9  }
0x103: {  	v21 =	vadd.f32 v21, v55;
	v9 =	vld [tilespmem:s6+$0x0];
	_ =	sdelay $0x1  }
0x104: {  	v56 =	vmul.f32 v7, v11;
	s31 =	sadd.s32 $0x9280, s30;
	v21 =	vmax.f32 v21, $0.0e+00  }
0x105: {  	v57 =	vmul.f32 v6, v11;
	s5 =	sor.u32 s21, s31;
	[tilespmem:s1+$0x0] =	vst v21  }
0x106: {  	v58 =	vmax.f32 v23, $0.0e+00;
	v21 =	vld [tilespmem:s5+$0x0];
	v10 =	vadd.f32 v10, v56  }
0x107: {  	[tilespmem:s10+$0x0] =	vst v58;
	s7 =	sor.u32 s0, s31;
	v9 =	vadd.f32 v9, v57  }
0x108: {  	s8 =	sadd.s32 $0x9280, s22;
	v59 =	vld [tilespmem:s7+$0x0];
	v10 =	vmax.f32 v10, $0.0e+00  }
0x109: {  	v62 =	vmul.f32 v4, v12;
	s10 =	sor.u32 s13, s8;
	[tilespmem:s28+$0x0] =	vst v10;
	v9 =	vmax.f32 v9, $0.0e+00  }
0x10a: {  	s1 =	sor.u32 s2, s8;
	v10 =	vld [tilespmem:s10+$0x0];
	[tilespmem:s6+$0x0] =	vst v9  }
0x10b: {  	v60 =	vmul.f32 v5, v12;
	v21 =	vadd.f32 v21, v62;
	v61 =	vld [tilespmem:s1+$0x0];
	_ =	sdelay $0x1  }
0x10c: {  	v63 =	vmul.f32 v7, v12;
	s12 =	sadd.s32 $0x9300, s30;
	v24 =	vmax.f32 v21, $0.0e+00;
	v9 =	vadd.f32 v59, v60  }
0x10d: {  	v23 =	vmul.f32 v6, v12;
	[tilespmem:s5+$0x0] =	vst v24;
	s6 =	sor.u32 s21, s12  }
0x10e: {  	v28 =	vld [tilespmem:s6+$0x0];
	v9 =	vmax.f32 v9, $0.0e+00;
	v10 =	vadd.f32 v10, v63  }
0x10f: {  	s15 =	sor.u32 s0, s12;
	[tilespmem:s7+$0x0] =	vst v9;
	v25 =	vadd.f32 v61, v23  }
0x110: {  	s16 =	sadd.s32 $0x9300, s22;
	v30 =	vmul.f32 v2, v13;
	v26 =	vld [tilespmem:s15+$0x0];
	v27 =	vmax.f32 v10, $0.0e+00  }
0x111: {  	v34 =	vmul.f32 v4, v13;
	s17 =	sor.u32 s13, s16;
	[tilespmem:s10+$0x0] =	vst v27;
	v29 =	vmax.f32 v25, $0.0e+00  }
0x112: {  	v11 =	vadd.f32 v19, v30;
	s5 =	sor.u32 s2, s16;
	v31 =	vld [tilespmem:s17+$0x0];
	[tilespmem:s1+$0x0] =	vst v29  }
0x113: {  	v32 =	vmul.f32 v5, v13;
	v20 =	vmax.f32 v20, $0.0e+00;
	v10 =	vadd.f32 v28, v34;
	v33 =	vld [tilespmem:s5+$0x0]  }
0x114: {  	s18 =	sadd.s32 $0x9380, s29;
	[tilespmem:s14+$0x0] =	vst v20;
	v11 =	vmax.f32 v11, $0.0e+00  }
0x115: {  	v35 =	vmul.f32 v7, v13;
	s12 =	sadd.s32 $0x9380, s30;
	v40 =	vmax.f32 v10, $0.0e+00;
	v9 =	vadd.f32 v26, v32;
	s1 =	sor.u32 s23, s18;
	s28 =	rddreg [dreg:$0x5];
	[tilespmem:s20+$0x0] =	vst v11  }
0x116: {  	v36 =	vmul.f32 v6, v13;
	s20 =	sor.u32 s0, s12;
	s12 =	sor.u32 s21, s12;
	[tilespmem:s6+$0x0] =	vst v40;
	v39 =	vld [tilespmem:s1+$0x0]  }
0x117: {  	s19 =	sor.u32 s28, s18;
	v9 =	vmax.f32 v9, $0.0e+00;
	v38 =	vadd.f32 v31, v35;
	v45 =	vld [tilespmem:s12+$0x0]  }
0x118: {  	v37 =	vld [tilespmem:s19+$0x0];
	[tilespmem:s15+$0x0] =	vst v9;
	v41 =	vadd.f32 v33, v36  }
0x119: {  	v47 =	vmul.f32 v2, v15;
	s24 =	sadd.s32 $0x9380, s22;
	v42 =	vld [tilespmem:s20+$0x0];
	v43 =	vmax.f32 v38, $0.0e+00  }
0x11a: {  	v52 =	vmul.f32 v4, v15;
	s31 =	sor.u32 s13, s24;
	[tilespmem:s17+$0x0] =	vst v43;
	v46 =	vmax.f32 v41, $0.0e+00  }
0x11b: {  	v44 =	vmul.f32 v3, v15;
	s6 =	sor.u32 s2, s24;
	v48 =	vld [tilespmem:s31+$0x0];
	v10 =	vadd.f32 v39, v47;
	[tilespmem:s5+$0x0] =	vst v46  }
0x11c: {  	v50 =	vmul.f32 v5, v15;
	v55 =	vadd.f32 v45, v52;
	v51 =	vld [tilespmem:s6+$0x0]  }
0x11d: {  	s8 =	sadd.s32 $0x9400, s29;
	v49 =	vadd.f32 v37, v44;
	v54 =	vmax.f32 v10, $0.0e+00  }
0x11e: {  	v53 =	vmul.f32 v7, v15;
	s15 =	sadd.s32 $0x9400, s30;
	v11 =	vadd.f32 v42, v50;
	s5 =	sor.u32 s23, s8;
	v61 =	vmax.f32 v55, $0.0e+00;
	[tilespmem:s1+$0x0] =	vst v54  }
0x11f: {  	v56 =	vmul.f32 v6, v15;
	v9 =	vmax.f32 v49, $0.0e+00;
	s1 =	sor.u32 s21, s15;
	[tilespmem:s12+$0x0] =	vst v61;
	v60 =	vld [tilespmem:s5+$0x0]  }
0x120: {  	s14 =	sor.u32 s28, s8;
	[tilespmem:s19+$0x0] =	vst v9;
	v58 =	vmax.f32 v11, $0.0e+00;
	v59 =	vadd.f32 v48, v53;
	v25 =	vld [tilespmem:s1+$0x0]  }
0x121: {  	v63 =	vmul.f32 v0, v14;
	s16 =	sor.u32 s0, s15;
	v57 =	vld [tilespmem:s14+$0x0];
	[tilespmem:s20+$0x0] =	vst v58;
	v62 =	vadd.f32 v51, v56  }
0x122: {  	v23 =	vadd.f32 v16, v18;
	v28 =	vmul.f32 v2, v14;
	s17 =	sadd.s32 $0x9400, s22;
	v21 =	vld [tilespmem:s16+$0x0];
	v22 =	vmax.f32 v59, $0.0e+00  }
0x123: {  	v27 =	vadd.f32 v17, v63;
	v32 =	vmul.f32 v4, v14;
	s18 =	sor.u32 s13, s17;
	[tilespmem:s31+$0x0] =	vst v22;
	v26 =	vmax.f32 v62, $0.0e+00  }
0x124: {  	s3 =	sadd.s32 $0x9480, s3;
	v24 =	vmul.f32 v3, v14;
	s19 =	sor.u32 s2, s17;
	v11 =	vmax.f32 v23, $0.0e+00;
	v29 =	vld [tilespmem:s18+$0x0];
	v10 =	vadd.f32 v60, v28;
	[tilespmem:s6+$0x0] =	vst v26  }
0x125: {  	v30 =	vmul.f32 v5, v14;
	v9 =	vmax.f32 v27, $0.0e+00;
	[tilespmem:s11+$0x0] =	vst v11;
	s20 =	sor.u32 s26, s3;
	v11 =	vadd.f32 v25, v32;
	v31 =	vld [tilespmem:s19+$0x0]  }
0x126: {  	s24 =	sadd.s32 $0x9480, s29;
	s3 =	sor.u32 s25, s3;
	[tilespmem:s9+$0x0] =	vst v9;
	v33 =	vld [tilespmem:s20+$0x0];
	v15 =	vadd.f32 v57, v24;
	v10 =	vmax.f32 v10, $0.0e+00  }
0x127: {  	v36 =	vmul.f32 v7, v14;
	s9 =	sor.u32 s23, s24;
	s26 =	sadd.s32 $0x9480, s30;
	v37 =	vld [tilespmem:s3+$0x0];
	v35 =	vadd.f32 v21, v30;
	v11 =	vmax.f32 v11, $0.0e+00;
	[tilespmem:s5+$0x0] =	vst v10  }
0x128: {  	v38 =	vmul.f32 v6, v14;
	v34 =	vmax.f32 v15, $0.0e+00;
	s5 =	sor.u32 s21, s26;
	[tilespmem:s1+$0x0] =	vst v11;
	v40 =	vld [tilespmem:s9+$0x0]  }
0x129: {  	v1 =	vmul.f32 v1, v8;
	s25 =	sor.u32 s28, s24;
	[tilespmem:s14+$0x0] =	vst v34;
	v15 =	vmax.f32 v35, $0.0e+00;
	v12 =	vadd.f32 v29, v36;
	v44 =	vld [tilespmem:s5+$0x0]  }
0x12a: {  	v41 =	vmul.f32 v0, v8;
	s28 =	sor.u32 s0, s26;
	v39 =	vld [tilespmem:s25+$0x0];
	[tilespmem:s16+$0x0] =	vst v15;
	v14 =	vadd.f32 v31, v38  }
0x12b: {  	s29 =	sadd.s32 $0x9480, s22;
	v46 =	vmul.f32 v2, v8;
	v1 =	vadd.f32 v33, v1;
	v42 =	vld [tilespmem:s28+$0x0];
	v12 =	vmax.f32 v12, $0.0e+00  }
0x12c: {  	s30 =	sor.u32 s13, s29;
	v51 =	vmul.f32 v4, v8;
	v0 =	vadd.f32 v37, v41;
	[tilespmem:s18+$0x0] =	vst v12;
	v45 =	vmax.f32 v14, $0.0e+00  }
0x12d: {  	v43 =	vmul.f32 v3, v8;
	s1 =	sor.u32 s2, s29;
	v1 =	vmax.f32 v1, $0.0e+00;
	v47 =	vld [tilespmem:s30+$0x0];
	v50 =	vadd.f32 v40, v46;
	[tilespmem:s19+$0x0] =	vst v45  }
0x12e: {  	v48 =	vmul.f32 v5, v8;
	v0 =	vmax.f32 v0, $0.0e+00;
	[tilespmem:s20+$0x0] =	vst v1;
	v56 =	vadd.f32 v44, v51;
	v49 =	vld [tilespmem:s1+$0x0]  }
0x12f: {  	[tilespmem:s3+$0x0] =	vst v0;
	v3 =	vadd.f32 v39, v43;
	v55 =	vmax.f32 v50, $0.0e+00  }
0x130: {  	v54 =	vmul.f32 v7, v8;
	v53 =	vadd.f32 v42, v48;
	v60 =	vmax.f32 v56, $0.0e+00;
	[tilespmem:s9+$0x0] =	vst v55  }
0x131: {  	v57 =	vmul.f32 v6, v8;
	v52 =	vmax.f32 v3, $0.0e+00;
	[tilespmem:s5+$0x0] =	vst v60  }
0x132: {  	[tilespmem:s25+$0x0] =	vst v52;
	v58 =	vmax.f32 v53, $0.0e+00;
	v59 =	vadd.f32 v47, v54  }
0x133: {  	[tilespmem:s28+$0x0] =	vst v58;
	v61 =	vadd.f32 v49, v57  }
0x134: {  	v62 =	vmax.f32 v59, $0.0e+00;
	s21 =	rddreg [dreg:$0x7]  }
0x135: {  	s0 =	rddreg [dreg:$0xf];
	[tilespmem:s30+$0x0] =	vst v62;
	v63 =	vmax.f32 v61, $0.0e+00  }
0x136: {  	[tilespmem:s1+$0x0] =	vst v63  }
0x137: {  	s31 =	rddreg [dreg:$0xe]  }
0x138: {  	s22 =	sadd.s32 $0x1, s31  }
0x139: {  	p0 =	sne.s32 s22, $0x8  }
.Ltmp3:
0x13a: {  	_ = 	snop;
	(pc) =	sbr.rel @p0 .LBB2_4-.Ltmp3, $4  }
0x13b: {  	s0 =	sadd.s32 s21, s0  }
0x13c: {  	s4 =	simm.s32 $0x9100;
	s19 =	rddreg [dreg:$0x3];
	s0 =	sshll.u32 s0, $0x9  }
0x13d: {  	s20 =	simm.s32 $0x0;
	s18 =	rddreg [dreg:$0x0];
	s0 =	sadd.s32 s19, s0  }
0x13e: {  	[hbm4b:s0+s20] =	stream.linear.scatter [tilespmem:s4], [sflag:$0x4], $0x8000, $0x38;
	[tilespmem:$0x11100] =	vst v63  }
0x13f: {  	s1 =	simm.s32 $0x4  }
0x140: {  	_ =	swait.ge [sflag:s1], $0x8000  }
0x141: {  	s2 =	rddreg [dreg:$0xd]  }
0x142: {  	s0 =	rddreg [dreg:$0xc];
	s2 =	sadd.s32 $0x1, s2  }
0x143: {  	p0 =	sne.s32 s2, s0  }
.Ltmp4:
0x144: {  	_ = 	snop;
	(pc) =	sbr.rel @p0 .LBB2_1-.Ltmp4, $3  }
0x145: {  	_ =	sdelay $0x1  }
0x146: {  	[sflag:s1] =	ssyncset.done $0x0  }
0x147: {  	s3 =	simm.s32 $0x5;
	[sflag:s1] =	ssyncadd.s32 $0xFFFF8000  }
0x148: {  	_ =	sfence.sel $0x180000  }
0x149: {  	[bflag:$0x0] =	sbarrier.arrive $0xFFFF  }
0x14a: {  	_ =	strace $0x90000047  }
0x14b: {  	s0 =	stileid.u32;
	[bflag:$0x2] =	sbarrier.arrive $0xFFFF  }
0x14c: {  	p0 =	sne.s32 s0, $0x0;
	s0 =	rddreg [dreg:$0x4]  }
0x14d: {  	s0 =	sadd.s32 @!p0 $0x100000, s0  }
0x14e: {  	[sflag:s0] =	ssyncadd.tile.s32 @!p0 $0x1;
	_ =	shalt  }
.Lfunc_end2:
_tile_overlayer_lowered:
.L_overlay_start_2:
0x14f: {  	(tag) =	ssettag $0x2  }
0x150: {  	s0 =	rddreg [dreg:$0x0];
	s2 =	stileid.u32  }
0x151: {  	s1 =	rddreg [dreg:$0x1];
	p0 =	sne.s32 s2, $0x0  }
0x152: {  	s3 =	rddreg [dreg:$0x2];
	[bflag:$0x3] =	sbarrier.arrive $0xFFFF;
	s2 =	simm.s32 @!p0 $0x1C05  }
0x153: {  	[timem:s3], [sflag:s2] =	dma.local @!p0 [hbm:s0], s1  }
0x154: {  	s0 =	simm.s32 @!p0 $0x5  }
0x155: {  	_ =	swait.ge @!p0 [sflag:s0], s1  }
0x156: {  	s1 =	ssub.s32 @!p0 $0x0, s1;
	[sflag:s0] =	ssyncset.done @!p0 $0x0  }
0x157: {  	[sflag:s0] =	ssyncadd.s32 @!p0 s1  }
0x158: {  	[bflag:$0x3] =	sbarrier.arrive $0xFFFF  }
0x159: {  	_ =	shalt  }

</sc_bundles>
